<compile_context>
chip_gen: v7x
topology: tpu7x:2x2x1
jax: 0.10.2.dev20260603
libtpu: 0.0.44.dev20260713+nightly
codegen_flags: <defaults>
</compile_context>

<pallas_src>
import functools

import jax
import jax.numpy as jnp
from jax import lax
from jax.experimental import pallas as pl
from jax.experimental.pallas import tpu as pltpu
from jax.experimental.pallas import tpu_sc as plsc

N_NODES = 10000
N_PAD = 10240
N_EDGES = 320000

NC = 2
NS = 16
NJ = 80
CH = 125
STRIPE = N_PAD // NS

_MESH = plsc.VectorSubcoreMesh(core_axis_name="c", subcore_axis_name="s")


DW = 8


@functools.partial(
    pl.kernel,
    out_type=jax.ShapeDtypeStruct((NC, N_PAD, DW), jnp.float32),
    mesh=_MESH,
    scratch_types=[
        pltpu.VMEM((NJ, CH), jnp.int32),
        pltpu.VMEM((CH, DW), jnp.float32),
        pltpu.VMEM((STRIPE, DW), jnp.float32),
        pltpu.VMEM_SHARED((N_PAD, DW), jnp.float32),
    ],
    compiler_params=pltpu.CompilerParams(use_tc_tiling_on_sc=False),
)
def _deg_kernel(dst_hbm, ones_hbm, zeros_hbm, out_hbm, dstb, onesb, zb, deg_s):
    c = lax.axis_index("c")
    s = lax.axis_index("s")
    pltpu.sync_copy(dst_hbm.at[c, s], dstb)
    pltpu.sync_copy(ones_hbm, onesb)
    pltpu.sync_copy(zeros_hbm, zb)
    pltpu.sync_copy(zb, deg_s.at[pl.ds(s * STRIPE, STRIPE)])
    plsc.subcore_barrier()

    @pl.loop(0, NJ)
    def _(j):
        pltpu.sync_copy(onesb, deg_s.at[dstb.at[j]], add=True)

    plsc.subcore_barrier()
    pltpu.sync_copy(deg_s.at[pl.ds(s * STRIPE, STRIPE)],
                    out_hbm.at[c, pl.ds(s * STRIPE, STRIPE)])


def _make_mp_kernel(d_feat):
    @functools.partial(
        pl.kernel,
        out_type=jax.ShapeDtypeStruct((NC, N_PAD, d_feat), jnp.float32),
        mesh=_MESH,
        scratch_types=[
            pltpu.VMEM((NJ, CH), jnp.int32),
            pltpu.VMEM((NJ, CH), jnp.int32),
            pltpu.VMEM((CH, d_feat), jnp.float32),
            pltpu.VMEM((STRIPE, d_feat), jnp.float32),
            pltpu.VMEM_SHARED((N_PAD, d_feat), jnp.float32),
            pltpu.SemaphoreType.DMA,
        ],
        compiler_params=pltpu.CompilerParams(use_tc_tiling_on_sc=False),
    )
    def _mp(hp_hbm, src_hbm, dst_hbm, zeros_hbm, out_hbm,
            srcb, dstb, rows, zb, acc_s, sem):
        c = lax.axis_index("c")
        s = lax.axis_index("s")
        pltpu.sync_copy(src_hbm.at[c, s], srcb)
        pltpu.sync_copy(dst_hbm.at[c, s], dstb)
        pltpu.sync_copy(zeros_hbm, zb)
        pltpu.sync_copy(zb, acc_s.at[pl.ds(s * STRIPE, STRIPE)])
        plsc.subcore_barrier()

        @pl.loop(0, NJ)
        def _(j):
            pltpu.async_copy(hp_hbm.at[srcb.at[j]], rows, sem).wait()
            pltpu.sync_copy(rows, acc_s.at[dstb.at[j]], add=True)

        plsc.subcore_barrier()
        pltpu.sync_copy(acc_s.at[pl.ds(s * STRIPE, STRIPE)],
                        out_hbm.at[c, pl.ds(s * STRIPE, STRIPE)])

    return _mp


_mp64 = _make_mp_kernel(64)
_mp32 = _make_mp_kernel(32)


def _k1_body(x_ref, w_ref, deg_ref, h_ref, dinv_ref):
    dinv = lax.rsqrt(deg_ref[:, 0:1] + deg_ref[:, 1:2] + 1.0)
    dinv_ref[...] = dinv
    h = jnp.dot(x_ref[...], w_ref[...], preferred_element_type=jnp.float32)
    h_ref[...] = h * dinv


def _k2_body(acc_ref, hp_ref, dinv_ref, b1_ref, w2_ref, out_ref):
    dinv = dinv_ref[...]
    t = (acc_ref[0, :N_NODES] + acc_ref[1, :N_NODES]
         + hp_ref[...]) * dinv + b1_ref[...]
    g = jnp.maximum(t, 0.0)
    out_ref[...] = jnp.dot(g, w2_ref[...],
                           preferred_element_type=jnp.float32) * dinv


def _k3_body(acc_ref, hp_ref, dinv_ref, b2_ref, wfc_ref, bfc_ref,
             wout_ref, bout_ref, o_ref):
    dinv = dinv_ref[...]
    t = (acc_ref[0, :N_NODES] + acc_ref[1, :N_NODES]
         + hp_ref[...]) * dinv + b2_ref[...]
    g = jnp.maximum(t, 0.0)
    g = jnp.maximum(jnp.dot(g, wfc_ref[...],
                            preferred_element_type=jnp.float32) + bfc_ref[...],
                    0.0)
    o_ref[...] = jnp.dot(g, wout_ref[...],
                         preferred_element_type=jnp.float32) + bout_ref[...]


def kernel(x, edge_index, W1, b1, W2, b2, Wfc, bfc, Wout, bout):
    ei = edge_index.astype(jnp.int32)
    src = ei[0].reshape(NC, NS, NJ, CH)
    dst = ei[1].reshape(NC, NS, NJ, CH)

    ones_ch = jnp.ones((CH, DW), jnp.float32)
    zeros_n = jnp.zeros((STRIPE, DW), jnp.float32)
    zeros64 = jnp.zeros((STRIPE, 64), jnp.float32)
    zeros32 = jnp.zeros((STRIPE, 32), jnp.float32)

    deg = _deg_kernel(dst, ones_ch, zeros_n)
    deg_t = deg[:, :N_NODES, 0].T

    h1p, dinv = pl.pallas_call(
        _k1_body,
        out_shape=(
            jax.ShapeDtypeStruct((N_NODES, 64), jnp.float32),
            jax.ShapeDtypeStruct((N_NODES, 1), jnp.float32),
        ),
    )(x, W1, deg_t)

    acc1 = _mp64(h1p, src, dst, zeros64)

    h2p = pl.pallas_call(
        _k2_body,
        out_shape=jax.ShapeDtypeStruct((N_NODES, 32), jnp.float32),
    )(acc1, h1p, dinv, b1.reshape(1, 64), W2)

    acc2 = _mp32(h2p, src, dst, zeros32)

    out = pl.pallas_call(
        _k3_body,
        out_shape=jax.ShapeDtypeStruct((N_NODES, 2), jnp.float32),
    )(acc2, h2p, dinv, b2.reshape(1, 32), Wfc, bfc.reshape(1, 32),
      Wout, bout.reshape(1, 2))
    return out

# --- scband reference (transcript-rebuilt; emitter-appended) ---
"""Pipeline reference for scband-titanic-gcndistilled-54451595379032 (READ-ONLY COPY).

The authoritative reference and input builder live on the scoring server;
editing this copy changes nothing except your own understanding.
"""

import jax, jax.numpy as jnp
import numpy as np

N_NODES = 10000
N_EDGES = 320000
D_IN = 128
D_HID = 64
D_HID2 = 32


def _add_self_loops(edge_index, num_nodes):
    loop = jnp.arange(num_nodes, dtype=edge_index.dtype)
    loops = jnp.stack([loop, loop], axis=0)
    return jnp.concatenate([edge_index, loops], axis=1)


def _gcn_conv(x, edge_index, W, b):
    # Faithful GCNConv with add_self_loops=True and symmetric normalization:
    # out = D^{-1/2} (A + I) D^{-1/2} (x W) + b
    num_nodes = x.shape[0]
    ei = _add_self_loops(edge_index, num_nodes)
    src, dst = ei[0], ei[1]
    h = x @ W
    ones = jnp.ones(src.shape[0], dtype=h.dtype)
    deg = jnp.zeros(num_nodes, dtype=h.dtype).at[dst].add(ones)
    dinv = jnp.where(deg > 0, jax.lax.rsqrt(deg), jnp.zeros_like(deg))
    norm = dinv[src] * dinv[dst]
    msg = h[src] * norm[:, None]
    out = jnp.zeros((num_nodes, W.shape[1]), dtype=h.dtype).at[dst].add(msg)
    return out + b


def setup_inputs(seed: int = 0) -> dict:
    key = jax.random.key(seed)
    ks = jax.random.split(key, 12)
    x = jax.random.normal(ks[0], (N_NODES, D_IN), dtype=jnp.float32)
    edge_index = jax.random.randint(ks[1], (2, N_EDGES), 0, N_NODES, dtype=jnp.int64 if jax.config.read('jax_enable_x64') else jnp.int32)
    W1 = jax.random.normal(ks[2], (D_IN, D_HID), dtype=jnp.float32) * 0.05
    b1 = jnp.zeros((D_HID,), dtype=jnp.float32)
    W2 = jax.random.normal(ks[3], (D_HID, D_HID2), dtype=jnp.float32) * 0.05
    b2 = jnp.zeros((D_HID2,), dtype=jnp.float32)
    Wfc = jax.random.normal(ks[4], (D_HID2, D_HID2), dtype=jnp.float32) * 0.05
    bfc = jnp.zeros((D_HID2,), dtype=jnp.float32)
    Wout = jax.random.normal(ks[5], (D_HID2, 2), dtype=jnp.float32) * 0.05
    bout = jnp.zeros((2,), dtype=jnp.float32)
    return {"x": x, "edge_index": edge_index, "W1": W1, "b1": b1, "W2": W2, "b2": b2, "Wfc": Wfc, "bfc": bfc, "Wout": Wout, "bout": bout}


def reference(x, edge_index, W1, b1, W2, b2, Wfc, bfc, Wout, bout):
    # Eval mode: dropout is identity.
    h = _gcn_conv(x, edge_index, W1, b1)
    h = jax.nn.relu(h)
    h = _gcn_conv(h, edge_index, W2, b2)
    h = jax.nn.relu(h)
    h = jax.nn.relu(h @ Wfc + bfc)
    out = h @ Wout + bout
    return out

if __name__ == "__main__":
    import jax
    _d = setup_inputs()
    print(jax.jit(kernel)(*tuple(_d.values())))

</pallas_src>

<mosaic_0001>
#map = affine_map<(d0, d1) -> (0, 0, 0, 0)>
#map1 = affine_map<(d0, d1) -> (0, 0)>
#map2 = affine_map<(d0, d1) -> (0, 0, 0)>
module attributes {stable_mosaic.version = 14 : i64} {
  func.func @_deg_kernel(%arg0: i32, %arg1: i32, %arg2: memref<2x16x80x125xi32, #tpu.memory_space<hbm>>, %arg3: memref<125x8xf32, #tpu.memory_space<hbm>>, %arg4: memref<640x8xf32, #tpu.memory_space<hbm>>, %arg5: memref<2x10240x8xf32, #tpu.memory_space<hbm>>, %arg6: memref<80x125xi32, #tpu.memory_space<vmem>>, %arg7: memref<125x8xf32, #tpu.memory_space<vmem>>, %arg8: memref<640x8xf32, #tpu.memory_space<vmem>>, %arg9: memref<10240x8xf32, #tpu.memory_space<vmem_shared>>) attributes {dimension_semantics = [#tpu.dimension_semantics<core_parallel>, #tpu.dimension_semantics<subcore_parallel>], iteration_bounds = array<i64: 2, 16>, scalar_prefetch = 0 : i64, scratch_operands = 4 : i64, tpu.core_type = #tpu.core_type<sc_vector_subcore>, window_params = [{transform_indices = #map}, {transform_indices = #map1}, {transform_indices = #map1}, {transform_indices = #map2}]} {
    "tpu.region"() ({
      %run_scoped3A = tpu.sem_alloc : memref<!tpu.dma_semaphore, #tpu.memory_space<semaphore_mem>>
      %dma_start3A = arith.constant 0 : i32
      %dma_start3A_10 = arith.constant 0 : i32
      %dma_start3A_11 = tpu.memref_slice %arg2[%arg0, %arg1, %dma_start3A, %dma_start3A_10] : memref<2x16x80x125xi32, #tpu.memory_space<hbm>> -> memref<1x1x80x125xi32, #tpu.memory_space<hbm>>
      %dma_start3A_12 = tpu.memref_squeeze %dma_start3A_11 : memref<1x1x80x125xi32, #tpu.memory_space<hbm>> -> memref<80x125xi32, #tpu.memory_space<hbm>>
      %dma_start3A_13 = arith.constant 0 : i32
      %dma_start3A_14 = arith.constant 0 : i32
      %dma_start3A_15 = tpu.memref_slice %arg2[%arg0, %arg1, %dma_start3A_13, %dma_start3A_14] : memref<2x16x80x125xi32, #tpu.memory_space<hbm>> -> memref<1x1x80x125xi32, #tpu.memory_space<hbm>>
      %dma_start3A_16 = tpu.memref_squeeze %dma_start3A_15 : memref<1x1x80x125xi32, #tpu.memory_space<hbm>> -> memref<80x125xi32, #tpu.memory_space<hbm>>
      tpu.enqueue_dma source(%dma_start3A_16 : memref<80x125xi32, #tpu.memory_space<hbm>>) target(%arg6 : memref<80x125xi32, #tpu.memory_space<vmem>>) target_semaphore(%run_scoped3A : memref<!tpu.dma_semaphore, #tpu.memory_space<semaphore_mem>>)
      %dma_wait3A = arith.constant 0 : i32
      %dma_wait3A_17 = arith.constant 0 : i32
      %dma_wait3A_18 = tpu.memref_slice %arg2[%arg0, %arg1, %dma_wait3A, %dma_wait3A_17] : memref<2x16x80x125xi32, #tpu.memory_space<hbm>> -> memref<1x1x80x125xi32, #tpu.memory_space<hbm>>
      %dma_wait3A_19 = tpu.memref_squeeze %dma_wait3A_18 : memref<1x1x80x125xi32, #tpu.memory_space<hbm>> -> memref<80x125xi32, #tpu.memory_space<hbm>>
      %dma_wait3A_20 = arith.constant 0 : i32
      %dma_wait3A_21 = arith.constant 0 : i32
      %dma_wait3A_22 = tpu.memref_slice %arg2[%arg0, %arg1, %dma_wait3A_20, %dma_wait3A_21] : memref<2x16x80x125xi32, #tpu.memory_space<hbm>> -> memref<1x1x80x125xi32, #tpu.memory_space<hbm>>
      %dma_wait3A_23 = tpu.memref_squeeze %dma_wait3A_22 : memref<1x1x80x125xi32, #tpu.memory_space<hbm>> -> memref<80x125xi32, #tpu.memory_space<hbm>>
      tpu.wait_dma2 semaphore(%run_scoped3A : memref<!tpu.dma_semaphore, #tpu.memory_space<semaphore_mem>>) src(%dma_wait3A_23 : memref<80x125xi32, #tpu.memory_space<hbm>>) dst(%arg6 : memref<80x125xi32, #tpu.memory_space<vmem>>)
      tpu.yield
    }) : () -> ()
    "tpu.region"() ({
      %run_scoped3A = tpu.sem_alloc : memref<!tpu.dma_semaphore, #tpu.memory_space<semaphore_mem>>
      tpu.enqueue_dma source(%arg3 : memref<125x8xf32, #tpu.memory_space<hbm>>) target(%arg7 : memref<125x8xf32, #tpu.memory_space<vmem>>) target_semaphore(%run_scoped3A : memref<!tpu.dma_semaphore, #tpu.memory_space<semaphore_mem>>)
      tpu.wait_dma2 semaphore(%run_scoped3A : memref<!tpu.dma_semaphore, #tpu.memory_space<semaphore_mem>>) src(%arg3 : memref<125x8xf32, #tpu.memory_space<hbm>>) dst(%arg7 : memref<125x8xf32, #tpu.memory_space<vmem>>)
      tpu.yield
    }) : () -> ()
    "tpu.region"() ({
      %run_scoped3A = tpu.sem_alloc : memref<!tpu.dma_semaphore, #tpu.memory_space<semaphore_mem>>
      tpu.enqueue_dma source(%arg4 : memref<640x8xf32, #tpu.memory_space<hbm>>) target(%arg8 : memref<640x8xf32, #tpu.memory_space<vmem>>) target_semaphore(%run_scoped3A : memref<!tpu.dma_semaphore, #tpu.memory_space<semaphore_mem>>)
      tpu.wait_dma2 semaphore(%run_scoped3A : memref<!tpu.dma_semaphore, #tpu.memory_space<semaphore_mem>>) src(%arg4 : memref<640x8xf32, #tpu.memory_space<hbm>>) dst(%arg8 : memref<640x8xf32, #tpu.memory_space<vmem>>)
      tpu.yield
    }) : () -> ()
    %mul3A = arith.constant 640 : i32
    %mul3A_0 = arith.muli %arg1, %mul3A : i32
    "tpu.region"() ({
      %run_scoped3A = tpu.sem_alloc : memref<!tpu.dma_semaphore, #tpu.memory_space<semaphore_mem>>
      %dma_start3A = arith.constant 0 : i32
      %dma_start3A_10 = tpu.memref_slice %arg9[%mul3A_0, %dma_start3A] : memref<10240x8xf32, #tpu.memory_space<vmem_shared>> -> memref<640x8xf32, #tpu.memory_space<vmem_shared>>
      %dma_start3A_11 = arith.constant 0 : i32
      %dma_start3A_12 = tpu.memref_slice %arg9[%mul3A_0, %dma_start3A_11] : memref<10240x8xf32, #tpu.memory_space<vmem_shared>> -> memref<640x8xf32, #tpu.memory_space<vmem_shared>>
      tpu.enqueue_dma source(%arg8 : memref<640x8xf32, #tpu.memory_space<vmem>>) target(%dma_start3A_12 : memref<640x8xf32, #tpu.memory_space<vmem_shared>>) target_semaphore(%run_scoped3A : memref<!tpu.dma_semaphore, #tpu.memory_space<semaphore_mem>>)
      %dma_wait3A = arith.constant 0 : i32
      %dma_wait3A_13 = tpu.memref_slice %arg9[%mul3A_0, %dma_wait3A] : memref<10240x8xf32, #tpu.memory_space<vmem_shared>> -> memref<640x8xf32, #tpu.memory_space<vmem_shared>>
      %dma_wait3A_14 = arith.constant 0 : i32
      %dma_wait3A_15 = tpu.memref_slice %arg9[%mul3A_0, %dma_wait3A_14] : memref<10240x8xf32, #tpu.memory_space<vmem_shared>> -> memref<640x8xf32, #tpu.memory_space<vmem_shared>>
      tpu.wait_dma2 semaphore(%run_scoped3A : memref<!tpu.dma_semaphore, #tpu.memory_space<semaphore_mem>>) src(%arg8 : memref<640x8xf32, #tpu.memory_space<vmem>>) dst(%dma_wait3A_15 : memref<640x8xf32, #tpu.memory_space<vmem_shared>>)
      tpu.yield
    }) : () -> ()
    %barrier3A = arith.constant 0 : index
    tpu.barrier barrier_id(%barrier3A)
    %scan3A = arith.constant 0 : i32
    %scan3A_1 = arith.constant 80 : i32
    %scan3A_2 = arith.addi %scan3A, %scan3A_1 : i32
    %scan3A_3 = arith.constant 1 : i32
    scf.for %scan3A_10 = %scan3A to %scan3A_2 step %scan3A_3  : i32 {
      %mul3A_11 = arith.constant 1 : i32
      %mul3A_12 = arith.muli %scan3A_10, %mul3A_11 : i32
      %add3A = arith.constant 0 : i32
      %add3A_13 = arith.addi %add3A, %mul3A_12 : i32
      "tpu.region"() ({
        %run_scoped3A = tpu.sem_alloc : memref<!tpu.dma_semaphore, #tpu.memory_space<semaphore_mem>>
        %dma_start3A = arith.constant 0 : i32
        %dma_start3A_14 = tpu.memref_slice %arg6[%add3A_13, %dma_start3A] : memref<80x125xi32, #tpu.memory_space<vmem>> -> memref<1x125xi32, #tpu.memory_space<vmem>>
        %dma_start3A_15 = tpu.memref_squeeze %dma_start3A_14 : memref<1x125xi32, #tpu.memory_space<vmem>> -> memref<125xi32, #tpu.memory_space<vmem>>
        %dma_start3A_16 = arith.constant 0 : i32
        %dma_start3A_17 = arith.constant 0 : i32
        %dma_start3A_18 = tpu.memref_slice %arg9[%dma_start3A_16, %dma_start3A_17] : memref<10240x8xf32, #tpu.memory_space<vmem_shared>> -> memref<10240x8xf32, #tpu.memory_space<vmem_shared>>
        tpu.enqueue_indirect_dma source(%arg7 : memref<125x8xf32, #tpu.memory_space<vmem>>) target(%dma_start3A_18 : memref<10240x8xf32, #tpu.memory_space<vmem_shared>>) offsets(%dma_start3A_15 : memref<125xi32, #tpu.memory_space<vmem>>) semaphore(%run_scoped3A : memref<!tpu.dma_semaphore, #tpu.memory_space<semaphore_mem>>) {add = true}
        %dma_wait3A = arith.constant 0 : i32
        %dma_wait3A_19 = tpu.memref_slice %arg6[%add3A_13, %dma_wait3A] : memref<80x125xi32, #tpu.memory_space<vmem>> -> memref<1x125xi32, #tpu.memory_space<vmem>>
        %dma_wait3A_20 = tpu.memref_squeeze %dma_wait3A_19 : memref<1x125xi32, #tpu.memory_space<vmem>> -> memref<125xi32, #tpu.memory_space<vmem>>
        %dma_wait3A_21 = arith.constant 0 : i32
        %dma_wait3A_22 = arith.constant 0 : i32
        %dma_wait3A_23 = tpu.memref_slice %arg9[%dma_wait3A_21, %dma_wait3A_22] : memref<10240x8xf32, #tpu.memory_space<vmem_shared>> -> memref<10240x8xf32, #tpu.memory_space<vmem_shared>>
        tpu.wait_indirect_dma semaphore(%run_scoped3A : memref<!tpu.dma_semaphore, #tpu.memory_space<semaphore_mem>>) src(%arg7 : memref<125x8xf32, #tpu.memory_space<vmem>>) dst(%dma_wait3A_23 : memref<10240x8xf32, #tpu.memory_space<vmem_shared>>)
        tpu.yield
      }) : () -> ()
    }
    %scan3A_4 = arith.constant 80 : i32
    %barrier3A_5 = arith.constant 0 : index
    tpu.barrier barrier_id(%barrier3A_5)
    %mul3A_6 = arith.constant 640 : i32
    %mul3A_7 = arith.muli %arg1, %mul3A_6 : i32
    %mul3A_8 = arith.constant 640 : i32
    %mul3A_9 = arith.muli %arg1, %mul3A_8 : i32
    "tpu.region"() ({
      %run_scoped3A = tpu.sem_alloc : memref<!tpu.dma_semaphore, #tpu.memory_space<semaphore_mem>>
      %dma_start3A = arith.constant 0 : i32
      %dma_start3A_10 = tpu.memref_slice %arg5[%arg0, %mul3A_9, %dma_start3A] : memref<2x10240x8xf32, #tpu.memory_space<hbm>> -> memref<1x640x8xf32, #tpu.memory_space<hbm>>
      %dma_start3A_11 = tpu.memref_squeeze %dma_start3A_10 : memref<1x640x8xf32, #tpu.memory_space<hbm>> -> memref<640x8xf32, #tpu.memory_space<hbm>>
      %dma_start3A_12 = arith.constant 0 : i32
      %dma_start3A_13 = tpu.memref_slice %arg9[%mul3A_7, %dma_start3A_12] : memref<10240x8xf32, #tpu.memory_space<vmem_shared>> -> memref<640x8xf32, #tpu.memory_space<vmem_shared>>
      tpu.enqueue_dma source(%dma_start3A_13 : memref<640x8xf32, #tpu.memory_space<vmem_shared>>) target(%dma_start3A_11 : memref<640x8xf32, #tpu.memory_space<hbm>>) target_semaphore(%run_scoped3A : memref<!tpu.dma_semaphore, #tpu.memory_space<semaphore_mem>>)
      %dma_wait3A = arith.constant 0 : i32
      %dma_wait3A_14 = tpu.memref_slice %arg5[%arg0, %mul3A_9, %dma_wait3A] : memref<2x10240x8xf32, #tpu.memory_space<hbm>> -> memref<1x640x8xf32, #tpu.memory_space<hbm>>
      %dma_wait3A_15 = tpu.memref_squeeze %dma_wait3A_14 : memref<1x640x8xf32, #tpu.memory_space<hbm>> -> memref<640x8xf32, #tpu.memory_space<hbm>>
      %dma_wait3A_16 = arith.constant 0 : i32
      %dma_wait3A_17 = tpu.memref_slice %arg9[%mul3A_7, %dma_wait3A_16] : memref<10240x8xf32, #tpu.memory_space<vmem_shared>> -> memref<640x8xf32, #tpu.memory_space<vmem_shared>>
      tpu.wait_dma2 semaphore(%run_scoped3A : memref<!tpu.dma_semaphore, #tpu.memory_space<semaphore_mem>>) src(%dma_wait3A_17 : memref<640x8xf32, #tpu.memory_space<vmem_shared>>) dst(%dma_wait3A_15 : memref<640x8xf32, #tpu.memory_space<hbm>>)
      tpu.yield
    }) : () -> ()
    return
  }
}

#map = affine_map<(d0, d1) -> (0, 0)>
#map1 = affine_map<(d0, d1) -> (0, 0, 0, 0)>
#map2 = affine_map<(d0, d1) -> (0, 0, 0)>
module attributes {stable_mosaic.version = 14 : i64} {
  func.func @_mp(%arg0: i32, %arg1: i32, %arg2: memref<10000x64xf32, #tpu.memory_space<hbm>>, %arg3: memref<2x16x80x125xi32, #tpu.memory_space<hbm>>, %arg4: memref<2x16x80x125xi32, #tpu.memory_space<hbm>>, %arg5: memref<640x64xf32, #tpu.memory_space<hbm>>, %arg6: memref<2x10240x64xf32, #tpu.memory_space<hbm>>, %arg7: memref<80x125xi32, #tpu.memory_space<vmem>>, %arg8: memref<80x125xi32, #tpu.memory_space<vmem>>, %arg9: memref<125x64xf32, #tpu.memory_space<vmem>>, %arg10: memref<640x64xf32, #tpu.memory_space<vmem>>, %arg11: memref<10240x64xf32, #tpu.memory_space<vmem_shared>>, %arg12: memref<!tpu.dma_semaphore, #tpu.memory_space<semaphore_mem>>) attributes {dimension_semantics = [#tpu.dimension_semantics<core_parallel>, #tpu.dimension_semantics<subcore_parallel>], iteration_bounds = array<i64: 2, 16>, scalar_prefetch = 0 : i64, scratch_operands = 6 : i64, tpu.core_type = #tpu.core_type<sc_vector_subcore>, window_params = [{transform_indices = #map}, {transform_indices = #map1}, {transform_indices = #map1}, {transform_indices = #map}, {transform_indices = #map2}]} {
    "tpu.region"() ({
      %run_scoped3A = tpu.sem_alloc : memref<!tpu.dma_semaphore, #tpu.memory_space<semaphore_mem>>
      %dma_start3A = arith.constant 0 : i32
      %dma_start3A_10 = arith.constant 0 : i32
      %dma_start3A_11 = tpu.memref_slice %arg3[%arg0, %arg1, %dma_start3A, %dma_start3A_10] : memref<2x16x80x125xi32, #tpu.memory_space<hbm>> -> memref<1x1x80x125xi32, #tpu.memory_space<hbm>>
      %dma_start3A_12 = tpu.memref_squeeze %dma_start3A_11 : memref<1x1x80x125xi32, #tpu.memory_space<hbm>> -> memref<80x125xi32, #tpu.memory_space<hbm>>
      %dma_start3A_13 = arith.constant 0 : i32
      %dma_start3A_14 = arith.constant 0 : i32
      %dma_start3A_15 = tpu.memref_slice %arg3[%arg0, %arg1, %dma_start3A_13, %dma_start3A_14] : memref<2x16x80x125xi32, #tpu.memory_space<hbm>> -> memref<1x1x80x125xi32, #tpu.memory_space<hbm>>
      %dma_start3A_16 = tpu.memref_squeeze %dma_start3A_15 : memref<1x1x80x125xi32, #tpu.memory_space<hbm>> -> memref<80x125xi32, #tpu.memory_space<hbm>>
      tpu.enqueue_dma source(%dma_start3A_16 : memref<80x125xi32, #tpu.memory_space<hbm>>) target(%arg7 : memref<80x125xi32, #tpu.memory_space<vmem>>) target_semaphore(%run_scoped3A : memref<!tpu.dma_semaphore, #tpu.memory_space<semaphore_mem>>)
      %dma_wait3A = arith.constant 0 : i32
      %dma_wait3A_17 = arith.constant 0 : i32
      %dma_wait3A_18 = tpu.memref_slice %arg3[%arg0, %arg1, %dma_wait3A, %dma_wait3A_17] : memref<2x16x80x125xi32, #tpu.memory_space<hbm>> -> memref<1x1x80x125xi32, #tpu.memory_space<hbm>>
      %dma_wait3A_19 = tpu.memref_squeeze %dma_wait3A_18 : memref<1x1x80x125xi32, #tpu.memory_space<hbm>> -> memref<80x125xi32, #tpu.memory_space<hbm>>
      %dma_wait3A_20 = arith.constant 0 : i32
      %dma_wait3A_21 = arith.constant 0 : i32
      %dma_wait3A_22 = tpu.memref_slice %arg3[%arg0, %arg1, %dma_wait3A_20, %dma_wait3A_21] : memref<2x16x80x125xi32, #tpu.memory_space<hbm>> -> memref<1x1x80x125xi32, #tpu.memory_space<hbm>>
      %dma_wait3A_23 = tpu.memref_squeeze %dma_wait3A_22 : memref<1x1x80x125xi32, #tpu.memory_space<hbm>> -> memref<80x125xi32, #tpu.memory_space<hbm>>
      tpu.wait_dma2 semaphore(%run_scoped3A : memref<!tpu.dma_semaphore, #tpu.memory_space<semaphore_mem>>) src(%dma_wait3A_23 : memref<80x125xi32, #tpu.memory_space<hbm>>) dst(%arg7 : memref<80x125xi32, #tpu.memory_space<vmem>>)
      tpu.yield
    }) : () -> ()
    "tpu.region"() ({
      %run_scoped3A = tpu.sem_alloc : memref<!tpu.dma_semaphore, #tpu.memory_space<semaphore_mem>>
      %dma_start3A = arith.constant 0 : i32
      %dma_start3A_10 = arith.constant 0 : i32
      %dma_start3A_11 = tpu.memref_slice %arg4[%arg0, %arg1, %dma_start3A, %dma_start3A_10] : memref<2x16x80x125xi32, #tpu.memory_space<hbm>> -> memref<1x1x80x125xi32, #tpu.memory_space<hbm>>
      %dma_start3A_12 = tpu.memref_squeeze %dma_start3A_11 : memref<1x1x80x125xi32, #tpu.memory_space<hbm>> -> memref<80x125xi32, #tpu.memory_space<hbm>>
      %dma_start3A_13 = arith.constant 0 : i32
      %dma_start3A_14 = arith.constant 0 : i32
      %dma_start3A_15 = tpu.memref_slice %arg4[%arg0, %arg1, %dma_start3A_13, %dma_start3A_14] : memref<2x16x80x125xi32, #tpu.memory_space<hbm>> -> memref<1x1x80x125xi32, #tpu.memory_space<hbm>>
      %dma_start3A_16 = tpu.memref_squeeze %dma_start3A_15 : memref<1x1x80x125xi32, #tpu.memory_space<hbm>> -> memref<80x125xi32, #tpu.memory_space<hbm>>
      tpu.enqueue_dma source(%dma_start3A_16 : memref<80x125xi32, #tpu.memory_space<hbm>>) target(%arg8 : memref<80x125xi32, #tpu.memory_space<vmem>>) target_semaphore(%run_scoped3A : memref<!tpu.dma_semaphore, #tpu.memory_space<semaphore_mem>>)
      %dma_wait3A = arith.constant 0 : i32
      %dma_wait3A_17 = arith.constant 0 : i32
      %dma_wait3A_18 = tpu.memref_slice %arg4[%arg0, %arg1, %dma_wait3A, %dma_wait3A_17] : memref<2x16x80x125xi32, #tpu.memory_space<hbm>> -> memref<1x1x80x125xi32, #tpu.memory_space<hbm>>
      %dma_wait3A_19 = tpu.memref_squeeze %dma_wait3A_18 : memref<1x1x80x125xi32, #tpu.memory_space<hbm>> -> memref<80x125xi32, #tpu.memory_space<hbm>>
      %dma_wait3A_20 = arith.constant 0 : i32
      %dma_wait3A_21 = arith.constant 0 : i32
      %dma_wait3A_22 = tpu.memref_slice %arg4[%arg0, %arg1, %dma_wait3A_20, %dma_wait3A_21] : memref<2x16x80x125xi32, #tpu.memory_space<hbm>> -> memref<1x1x80x125xi32, #tpu.memory_space<hbm>>
      %dma_wait3A_23 = tpu.memref_squeeze %dma_wait3A_22 : memref<1x1x80x125xi32, #tpu.memory_space<hbm>> -> memref<80x125xi32, #tpu.memory_space<hbm>>
      tpu.wait_dma2 semaphore(%run_scoped3A : memref<!tpu.dma_semaphore, #tpu.memory_space<semaphore_mem>>) src(%dma_wait3A_23 : memref<80x125xi32, #tpu.memory_space<hbm>>) dst(%arg8 : memref<80x125xi32, #tpu.memory_space<vmem>>)
      tpu.yield
    }) : () -> ()
    "tpu.region"() ({
      %run_scoped3A = tpu.sem_alloc : memref<!tpu.dma_semaphore, #tpu.memory_space<semaphore_mem>>
      tpu.enqueue_dma source(%arg5 : memref<640x64xf32, #tpu.memory_space<hbm>>) target(%arg10 : memref<640x64xf32, #tpu.memory_space<vmem>>) target_semaphore(%run_scoped3A : memref<!tpu.dma_semaphore, #tpu.memory_space<semaphore_mem>>)
      tpu.wait_dma2 semaphore(%run_scoped3A : memref<!tpu.dma_semaphore, #tpu.memory_space<semaphore_mem>>) src(%arg5 : memref<640x64xf32, #tpu.memory_space<hbm>>) dst(%arg10 : memref<640x64xf32, #tpu.memory_space<vmem>>)
      tpu.yield
    }) : () -> ()
    %mul3A = arith.constant 640 : i32
    %mul3A_0 = arith.muli %arg1, %mul3A : i32
    "tpu.region"() ({
      %run_scoped3A = tpu.sem_alloc : memref<!tpu.dma_semaphore, #tpu.memory_space<semaphore_mem>>
      %dma_start3A = arith.constant 0 : i32
      %dma_start3A_10 = tpu.memref_slice %arg11[%mul3A_0, %dma_start3A] : memref<10240x64xf32, #tpu.memory_space<vmem_shared>> -> memref<640x64xf32, #tpu.memory_space<vmem_shared>>
      %dma_start3A_11 = arith.constant 0 : i32
      %dma_start3A_12 = tpu.memref_slice %arg11[%mul3A_0, %dma_start3A_11] : memref<10240x64xf32, #tpu.memory_space<vmem_shared>> -> memref<640x64xf32, #tpu.memory_space<vmem_shared>>
      tpu.enqueue_dma source(%arg10 : memref<640x64xf32, #tpu.memory_space<vmem>>) target(%dma_start3A_12 : memref<640x64xf32, #tpu.memory_space<vmem_shared>>) target_semaphore(%run_scoped3A : memref<!tpu.dma_semaphore, #tpu.memory_space<semaphore_mem>>)
      %dma_wait3A = arith.constant 0 : i32
      %dma_wait3A_13 = tpu.memref_slice %arg11[%mul3A_0, %dma_wait3A] : memref<10240x64xf32, #tpu.memory_space<vmem_shared>> -> memref<640x64xf32, #tpu.memory_space<vmem_shared>>
      %dma_wait3A_14 = arith.constant 0 : i32
      %dma_wait3A_15 = tpu.memref_slice %arg11[%mul3A_0, %dma_wait3A_14] : memref<10240x64xf32, #tpu.memory_space<vmem_shared>> -> memref<640x64xf32, #tpu.memory_space<vmem_shared>>
      tpu.wait_dma2 semaphore(%run_scoped3A : memref<!tpu.dma_semaphore, #tpu.memory_space<semaphore_mem>>) src(%arg10 : memref<640x64xf32, #tpu.memory_space<vmem>>) dst(%dma_wait3A_15 : memref<640x64xf32, #tpu.memory_space<vmem_shared>>)
      tpu.yield
    }) : () -> ()
    %barrier3A = arith.constant 0 : index
    tpu.barrier barrier_id(%barrier3A)
    %scan3A = arith.constant 0 : i32
    %scan3A_1 = arith.constant 80 : i32
    %scan3A_2 = arith.addi %scan3A, %scan3A_1 : i32
    %scan3A_3 = arith.constant 1 : i32
    scf.for %scan3A_10 = %scan3A to %scan3A_2 step %scan3A_3  : i32 {
      %mul3A_11 = arith.constant 1 : i32
      %mul3A_12 = arith.muli %scan3A_10, %mul3A_11 : i32
      %add3A = arith.constant 0 : i32
      %add3A_13 = arith.addi %add3A, %mul3A_12 : i32
      %dma_start3A = arith.constant 0 : i32
      %dma_start3A_14 = tpu.memref_slice %arg7[%add3A_13, %dma_start3A] : memref<80x125xi32, #tpu.memory_space<vmem>> -> memref<1x125xi32, #tpu.memory_space<vmem>>
      %dma_start3A_15 = tpu.memref_squeeze %dma_start3A_14 : memref<1x125xi32, #tpu.memory_space<vmem>> -> memref<125xi32, #tpu.memory_space<vmem>>
      %dma_start3A_16 = arith.constant 0 : i32
      %dma_start3A_17 = arith.constant 0 : i32
      %dma_start3A_18 = tpu.memref_slice %arg2[%dma_start3A_16, %dma_start3A_17] : memref<10000x64xf32, #tpu.memory_space<hbm>> -> memref<10000x64xf32, #tpu.memory_space<hbm>>
      tpu.enqueue_indirect_dma source(%dma_start3A_18 : memref<10000x64xf32, #tpu.memory_space<hbm>>) target(%arg9 : memref<125x64xf32, #tpu.memory_space<vmem>>) offsets(%dma_start3A_15 : memref<125xi32, #tpu.memory_space<vmem>>) semaphore(%arg12 : memref<!tpu.dma_semaphore, #tpu.memory_space<semaphore_mem>>)
      %dma_wait3A = arith.constant 0 : i32
      %dma_wait3A_19 = tpu.memref_slice %arg7[%add3A_13, %dma_wait3A] : memref<80x125xi32, #tpu.memory_space<vmem>> -> memref<1x125xi32, #tpu.memory_space<vmem>>
      %dma_wait3A_20 = tpu.memref_squeeze %dma_wait3A_19 : memref<1x125xi32, #tpu.memory_space<vmem>> -> memref<125xi32, #tpu.memory_space<vmem>>
      %dma_wait3A_21 = arith.constant 0 : i32
      %dma_wait3A_22 = arith.constant 0 : i32
      %dma_wait3A_23 = tpu.memref_slice %arg2[%dma_wait3A_21, %dma_wait3A_22] : memref<10000x64xf32, #tpu.memory_space<hbm>> -> memref<10000x64xf32, #tpu.memory_space<hbm>>
      tpu.wait_indirect_dma semaphore(%arg12 : memref<!tpu.dma_semaphore, #tpu.memory_space<semaphore_mem>>) src(%dma_wait3A_23 : memref<10000x64xf32, #tpu.memory_space<hbm>>) dst(%arg9 : memref<125x64xf32, #tpu.memory_space<vmem>>)
      "tpu.region"() ({
        %run_scoped3A = tpu.sem_alloc : memref<!tpu.dma_semaphore, #tpu.memory_space<semaphore_mem>>
        %dma_start3A_24 = arith.constant 0 : i32
        %dma_start3A_25 = tpu.memref_slice %arg8[%add3A_13, %dma_start3A_24] : memref<80x125xi32, #tpu.memory_space<vmem>> -> memref<1x125xi32, #tpu.memory_space<vmem>>
        %dma_start3A_26 = tpu.memref_squeeze %dma_start3A_25 : memref<1x125xi32, #tpu.memory_space<vmem>> -> memref<125xi32, #tpu.memory_space<vmem>>
        %dma_start3A_27 = arith.constant 0 : i32
        %dma_start3A_28 = arith.constant 0 : i32
        %dma_start3A_29 = tpu.memref_slice %arg11[%dma_start3A_27, %dma_start3A_28] : memref<10240x64xf32, #tpu.memory_space<vmem_shared>> -> memref<10240x64xf32, #tpu.memory_space<vmem_shared>>
        tpu.enqueue_indirect_dma source(%arg9 : memref<125x64xf32, #tpu.memory_space<vmem>>) target(%dma_start3A_29 : memref<10240x64xf32, #tpu.memory_space<vmem_shared>>) offsets(%dma_start3A_26 : memref<125xi32, #tpu.memory_space<vmem>>) semaphore(%run_scoped3A : memref<!tpu.dma_semaphore, #tpu.memory_space<semaphore_mem>>) {add = true}
        %dma_wait3A_30 = arith.constant 0 : i32
        %dma_wait3A_31 = tpu.memref_slice %arg8[%add3A_13, %dma_wait3A_30] : memref<80x125xi32, #tpu.memory_space<vmem>> -> memref<1x125xi32, #tpu.memory_space<vmem>>
        %dma_wait3A_32 = tpu.memref_squeeze %dma_wait3A_31 : memref<1x125xi32, #tpu.memory_space<vmem>> -> memref<125xi32, #tpu.memory_space<vmem>>
        %dma_wait3A_33 = arith.constant 0 : i32
        %dma_wait3A_34 = arith.constant 0 : i32
        %dma_wait3A_35 = tpu.memref_slice %arg11[%dma_wait3A_33, %dma_wait3A_34] : memref<10240x64xf32, #tpu.memory_space<vmem_shared>> -> memref<10240x64xf32, #tpu.memory_space<vmem_shared>>
        tpu.wait_indirect_dma semaphore(%run_scoped3A : memref<!tpu.dma_semaphore, #tpu.memory_space<semaphore_mem>>) src(%arg9 : memref<125x64xf32, #tpu.memory_space<vmem>>) dst(%dma_wait3A_35 : memref<10240x64xf32, #tpu.memory_space<vmem_shared>>)
        tpu.yield
      }) : () -> ()
    }
    %scan3A_4 = arith.constant 80 : i32
    %barrier3A_5 = arith.constant 0 : index
    tpu.barrier barrier_id(%barrier3A_5)
    %mul3A_6 = arith.constant 640 : i32
    %mul3A_7 = arith.muli %arg1, %mul3A_6 : i32
    %mul3A_8 = arith.constant 640 : i32
    %mul3A_9 = arith.muli %arg1, %mul3A_8 : i32
    "tpu.region"() ({
      %run_scoped3A = tpu.sem_alloc : memref<!tpu.dma_semaphore, #tpu.memory_space<semaphore_mem>>
      %dma_start3A = arith.constant 0 : i32
      %dma_start3A_10 = tpu.memref_slice %arg6[%arg0, %mul3A_9, %dma_start3A] : memref<2x10240x64xf32, #tpu.memory_space<hbm>> -> memref<1x640x64xf32, #tpu.memory_space<hbm>>
      %dma_start3A_11 = tpu.memref_squeeze %dma_start3A_10 : memref<1x640x64xf32, #tpu.memory_space<hbm>> -> memref<640x64xf32, #tpu.memory_space<hbm>>
      %dma_start3A_12 = arith.constant 0 : i32
      %dma_start3A_13 = tpu.memref_slice %arg11[%mul3A_7, %dma_start3A_12] : memref<10240x64xf32, #tpu.memory_space<vmem_shared>> -> memref<640x64xf32, #tpu.memory_space<vmem_shared>>
      tpu.enqueue_dma source(%dma_start3A_13 : memref<640x64xf32, #tpu.memory_space<vmem_shared>>) target(%dma_start3A_11 : memref<640x64xf32, #tpu.memory_space<hbm>>) target_semaphore(%run_scoped3A : memref<!tpu.dma_semaphore, #tpu.memory_space<semaphore_mem>>)
      %dma_wait3A = arith.constant 0 : i32
      %dma_wait3A_14 = tpu.memref_slice %arg6[%arg0, %mul3A_9, %dma_wait3A] : memref<2x10240x64xf32, #tpu.memory_space<hbm>> -> memref<1x640x64xf32, #tpu.memory_space<hbm>>
      %dma_wait3A_15 = tpu.memref_squeeze %dma_wait3A_14 : memref<1x640x64xf32, #tpu.memory_space<hbm>> -> memref<640x64xf32, #tpu.memory_space<hbm>>
      %dma_wait3A_16 = arith.constant 0 : i32
      %dma_wait3A_17 = tpu.memref_slice %arg11[%mul3A_7, %dma_wait3A_16] : memref<10240x64xf32, #tpu.memory_space<vmem_shared>> -> memref<640x64xf32, #tpu.memory_space<vmem_shared>>
      tpu.wait_dma2 semaphore(%run_scoped3A : memref<!tpu.dma_semaphore, #tpu.memory_space<semaphore_mem>>) src(%dma_wait3A_17 : memref<640x64xf32, #tpu.memory_space<vmem_shared>>) dst(%dma_wait3A_15 : memref<640x64xf32, #tpu.memory_space<hbm>>)
      tpu.yield
    }) : () -> ()
    return
  }
}

#map = affine_map<(d0, d1) -> (0, 0)>
#map1 = affine_map<(d0, d1) -> (0, 0, 0, 0)>
#map2 = affine_map<(d0, d1) -> (0, 0, 0)>
module attributes {stable_mosaic.version = 14 : i64} {
  func.func @_mp(%arg0: i32, %arg1: i32, %arg2: memref<10000x32xf32, #tpu.memory_space<hbm>>, %arg3: memref<2x16x80x125xi32, #tpu.memory_space<hbm>>, %arg4: memref<2x16x80x125xi32, #tpu.memory_space<hbm>>, %arg5: memref<640x32xf32, #tpu.memory_space<hbm>>, %arg6: memref<2x10240x32xf32, #tpu.memory_space<hbm>>, %arg7: memref<80x125xi32, #tpu.memory_space<vmem>>, %arg8: memref<80x125xi32, #tpu.memory_space<vmem>>, %arg9: memref<125x32xf32, #tpu.memory_space<vmem>>, %arg10: memref<640x32xf32, #tpu.memory_space<vmem>>, %arg11: memref<10240x32xf32, #tpu.memory_space<vmem_shared>>, %arg12: memref<!tpu.dma_semaphore, #tpu.memory_space<semaphore_mem>>) attributes {dimension_semantics = [#tpu.dimension_semantics<core_parallel>, #tpu.dimension_semantics<subcore_parallel>], iteration_bounds = array<i64: 2, 16>, scalar_prefetch = 0 : i64, scratch_operands = 6 : i64, tpu.core_type = #tpu.core_type<sc_vector_subcore>, window_params = [{transform_indices = #map}, {transform_indices = #map1}, {transform_indices = #map1}, {transform_indices = #map}, {transform_indices = #map2}]} {
    "tpu.region"() ({
      %run_scoped3A = tpu.sem_alloc : memref<!tpu.dma_semaphore, #tpu.memory_space<semaphore_mem>>
      %dma_start3A = arith.constant 0 : i32
      %dma_start3A_10 = arith.constant 0 : i32
      %dma_start3A_11 = tpu.memref_slice %arg3[%arg0, %arg1, %dma_start3A, %dma_start3A_10] : memref<2x16x80x125xi32, #tpu.memory_space<hbm>> -> memref<1x1x80x125xi32, #tpu.memory_space<hbm>>
      %dma_start3A_12 = tpu.memref_squeeze %dma_start3A_11 : memref<1x1x80x125xi32, #tpu.memory_space<hbm>> -> memref<80x125xi32, #tpu.memory_space<hbm>>
      %dma_start3A_13 = arith.constant 0 : i32
      %dma_start3A_14 = arith.constant 0 : i32
      %dma_start3A_15 = tpu.memref_slice %arg3[%arg0, %arg1, %dma_start3A_13, %dma_start3A_14] : memref<2x16x80x125xi32, #tpu.memory_space<hbm>> -> memref<1x1x80x125xi32, #tpu.memory_space<hbm>>
      %dma_start3A_16 = tpu.memref_squeeze %dma_start3A_15 : memref<1x1x80x125xi32, #tpu.memory_space<hbm>> -> memref<80x125xi32, #tpu.memory_space<hbm>>
      tpu.enqueue_dma source(%dma_start3A_16 : memref<80x125xi32, #tpu.memory_space<hbm>>) target(%arg7 : memref<80x125xi32, #tpu.memory_space<vmem>>) target_semaphore(%run_scoped3A : memref<!tpu.dma_semaphore, #tpu.memory_space<semaphore_mem>>)
      %dma_wait3A = arith.constant 0 : i32
      %dma_wait3A_17 = arith.constant 0 : i32
      %dma_wait3A_18 = tpu.memref_slice %arg3[%arg0, %arg1, %dma_wait3A, %dma_wait3A_17] : memref<2x16x80x125xi32, #tpu.memory_space<hbm>> -> memref<1x1x80x125xi32, #tpu.memory_space<hbm>>
      %dma_wait3A_19 = tpu.memref_squeeze %dma_wait3A_18 : memref<1x1x80x125xi32, #tpu.memory_space<hbm>> -> memref<80x125xi32, #tpu.memory_space<hbm>>
      %dma_wait3A_20 = arith.constant 0 : i32
      %dma_wait3A_21 = arith.constant 0 : i32
      %dma_wait3A_22 = tpu.memref_slice %arg3[%arg0, %arg1, %dma_wait3A_20, %dma_wait3A_21] : memref<2x16x80x125xi32, #tpu.memory_space<hbm>> -> memref<1x1x80x125xi32, #tpu.memory_space<hbm>>
      %dma_wait3A_23 = tpu.memref_squeeze %dma_wait3A_22 : memref<1x1x80x125xi32, #tpu.memory_space<hbm>> -> memref<80x125xi32, #tpu.memory_space<hbm>>
      tpu.wait_dma2 semaphore(%run_scoped3A : memref<!tpu.dma_semaphore, #tpu.memory_space<semaphore_mem>>) src(%dma_wait3A_23 : memref<80x125xi32, #tpu.memory_space<hbm>>) dst(%arg7 : memref<80x125xi32, #tpu.memory_space<vmem>>)
      tpu.yield
    }) : () -> ()
    "tpu.region"() ({
      %run_scoped3A = tpu.sem_alloc : memref<!tpu.dma_semaphore, #tpu.memory_space<semaphore_mem>>
      %dma_start3A = arith.constant 0 : i32
      %dma_start3A_10 = arith.constant 0 : i32
      %dma_start3A_11 = tpu.memref_slice %arg4[%arg0, %arg1, %dma_start3A, %dma_start3A_10] : memref<2x16x80x125xi32, #tpu.memory_space<hbm>> -> memref<1x1x80x125xi32, #tpu.memory_space<hbm>>
      %dma_start3A_12 = tpu.memref_squeeze %dma_start3A_11 : memref<1x1x80x125xi32, #tpu.memory_space<hbm>> -> memref<80x125xi32, #tpu.memory_space<hbm>>
      %dma_start3A_13 = arith.constant 0 : i32
      %dma_start3A_14 = arith.constant 0 : i32
      %dma_start3A_15 = tpu.memref_slice %arg4[%arg0, %arg1, %dma_start3A_13, %dma_start3A_14] : memref<2x16x80x125xi32, #tpu.memory_space<hbm>> -> memref<1x1x80x125xi32, #tpu.memory_space<hbm>>
      %dma_start3A_16 = tpu.memref_squeeze %dma_start3A_15 : memref<1x1x80x125xi32, #tpu.memory_space<hbm>> -> memref<80x125xi32, #tpu.memory_space<hbm>>
      tpu.enqueue_dma source(%dma_start3A_16 : memref<80x125xi32, #tpu.memory_space<hbm>>) target(%arg8 : memref<80x125xi32, #tpu.memory_space<vmem>>) target_semaphore(%run_scoped3A : memref<!tpu.dma_semaphore, #tpu.memory_space<semaphore_mem>>)
      %dma_wait3A = arith.constant 0 : i32
      %dma_wait3A_17 = arith.constant 0 : i32
      %dma_wait3A_18 = tpu.memref_slice %arg4[%arg0, %arg1, %dma_wait3A, %dma_wait3A_17] : memref<2x16x80x125xi32, #tpu.memory_space<hbm>> -> memref<1x1x80x125xi32, #tpu.memory_space<hbm>>
      %dma_wait3A_19 = tpu.memref_squeeze %dma_wait3A_18 : memref<1x1x80x125xi32, #tpu.memory_space<hbm>> -> memref<80x125xi32, #tpu.memory_space<hbm>>
      %dma_wait3A_20 = arith.constant 0 : i32
      %dma_wait3A_21 = arith.constant 0 : i32
      %dma_wait3A_22 = tpu.memref_slice %arg4[%arg0, %arg1, %dma_wait3A_20, %dma_wait3A_21] : memref<2x16x80x125xi32, #tpu.memory_space<hbm>> -> memref<1x1x80x125xi32, #tpu.memory_space<hbm>>
      %dma_wait3A_23 = tpu.memref_squeeze %dma_wait3A_22 : memref<1x1x80x125xi32, #tpu.memory_space<hbm>> -> memref<80x125xi32, #tpu.memory_space<hbm>>
      tpu.wait_dma2 semaphore(%run_scoped3A : memref<!tpu.dma_semaphore, #tpu.memory_space<semaphore_mem>>) src(%dma_wait3A_23 : memref<80x125xi32, #tpu.memory_space<hbm>>) dst(%arg8 : memref<80x125xi32, #tpu.memory_space<vmem>>)
      tpu.yield
    }) : () -> ()
    "tpu.region"() ({
      %run_scoped3A = tpu.sem_alloc : memref<!tpu.dma_semaphore, #tpu.memory_space<semaphore_mem>>
      tpu.enqueue_dma source(%arg5 : memref<640x32xf32, #tpu.memory_space<hbm>>) target(%arg10 : memref<640x32xf32, #tpu.memory_space<vmem>>) target_semaphore(%run_scoped3A : memref<!tpu.dma_semaphore, #tpu.memory_space<semaphore_mem>>)
      tpu.wait_dma2 semaphore(%run_scoped3A : memref<!tpu.dma_semaphore, #tpu.memory_space<semaphore_mem>>) src(%arg5 : memref<640x32xf32, #tpu.memory_space<hbm>>) dst(%arg10 : memref<640x32xf32, #tpu.memory_space<vmem>>)
      tpu.yield
    }) : () -> ()
    %mul3A = arith.constant 640 : i32
    %mul3A_0 = arith.muli %arg1, %mul3A : i32
    "tpu.region"() ({
      %run_scoped3A = tpu.sem_alloc : memref<!tpu.dma_semaphore, #tpu.memory_space<semaphore_mem>>
      %dma_start3A = arith.constant 0 : i32
      %dma_start3A_10 = tpu.memref_slice %arg11[%mul3A_0, %dma_start3A] : memref<10240x32xf32, #tpu.memory_space<vmem_shared>> -> memref<640x32xf32, #tpu.memory_space<vmem_shared>>
      %dma_start3A_11 = arith.constant 0 : i32
      %dma_start3A_12 = tpu.memref_slice %arg11[%mul3A_0, %dma_start3A_11] : memref<10240x32xf32, #tpu.memory_space<vmem_shared>> -> memref<640x32xf32, #tpu.memory_space<vmem_shared>>
      tpu.enqueue_dma source(%arg10 : memref<640x32xf32, #tpu.memory_space<vmem>>) target(%dma_start3A_12 : memref<640x32xf32, #tpu.memory_space<vmem_shared>>) target_semaphore(%run_scoped3A : memref<!tpu.dma_semaphore, #tpu.memory_space<semaphore_mem>>)
      %dma_wait3A = arith.constant 0 : i32
      %dma_wait3A_13 = tpu.memref_slice %arg11[%mul3A_0, %dma_wait3A] : memref<10240x32xf32, #tpu.memory_space<vmem_shared>> -> memref<640x32xf32, #tpu.memory_space<vmem_shared>>
      %dma_wait3A_14 = arith.constant 0 : i32
      %dma_wait3A_15 = tpu.memref_slice %arg11[%mul3A_0, %dma_wait3A_14] : memref<10240x32xf32, #tpu.memory_space<vmem_shared>> -> memref<640x32xf32, #tpu.memory_space<vmem_shared>>
      tpu.wait_dma2 semaphore(%run_scoped3A : memref<!tpu.dma_semaphore, #tpu.memory_space<semaphore_mem>>) src(%arg10 : memref<640x32xf32, #tpu.memory_space<vmem>>) dst(%dma_wait3A_15 : memref<640x32xf32, #tpu.memory_space<vmem_shared>>)
      tpu.yield
    }) : () -> ()
    %barrier3A = arith.constant 0 : index
    tpu.barrier barrier_id(%barrier3A)
    %scan3A = arith.constant 0 : i32
    %scan3A_1 = arith.constant 80 : i32
    %scan3A_2 = arith.addi %scan3A, %scan3A_1 : i32
    %scan3A_3 = arith.constant 1 : i32
    scf.for %scan3A_10 = %scan3A to %scan3A_2 step %scan3A_3  : i32 {
      %mul3A_11 = arith.constant 1 : i32
      %mul3A_12 = arith.muli %scan3A_10, %mul3A_11 : i32
      %add3A = arith.constant 0 : i32
      %add3A_13 = arith.addi %add3A, %mul3A_12 : i32
      %dma_start3A = arith.constant 0 : i32
      %dma_start3A_14 = tpu.memref_slice %arg7[%add3A_13, %dma_start3A] : memref<80x125xi32, #tpu.memory_space<vmem>> -> memref<1x125xi32, #tpu.memory_space<vmem>>
      %dma_start3A_15 = tpu.memref_squeeze %dma_start3A_14 : memref<1x125xi32, #tpu.memory_space<vmem>> -> memref<125xi32, #tpu.memory_space<vmem>>
      %dma_start3A_16 = arith.constant 0 : i32
      %dma_start3A_17 = arith.constant 0 : i32
      %dma_start3A_18 = tpu.memref_slice %arg2[%dma_start3A_16, %dma_start3A_17] : memref<10000x32xf32, #tpu.memory_space<hbm>> -> memref<10000x32xf32, #tpu.memory_space<hbm>>
      tpu.enqueue_indirect_dma source(%dma_start3A_18 : memref<10000x32xf32, #tpu.memory_space<hbm>>) target(%arg9 : memref<125x32xf32, #tpu.memory_space<vmem>>) offsets(%dma_start3A_15 : memref<125xi32, #tpu.memory_space<vmem>>) semaphore(%arg12 : memref<!tpu.dma_semaphore, #tpu.memory_space<semaphore_mem>>)
      %dma_wait3A = arith.constant 0 : i32
      %dma_wait3A_19 = tpu.memref_slice %arg7[%add3A_13, %dma_wait3A] : memref<80x125xi32, #tpu.memory_space<vmem>> -> memref<1x125xi32, #tpu.memory_space<vmem>>
      %dma_wait3A_20 = tpu.memref_squeeze %dma_wait3A_19 : memref<1x125xi32, #tpu.memory_space<vmem>> -> memref<125xi32, #tpu.memory_space<vmem>>
      %dma_wait3A_21 = arith.constant 0 : i32
      %dma_wait3A_22 = arith.constant 0 : i32
      %dma_wait3A_23 = tpu.memref_slice %arg2[%dma_wait3A_21, %dma_wait3A_22] : memref<10000x32xf32, #tpu.memory_space<hbm>> -> memref<10000x32xf32, #tpu.memory_space<hbm>>
      tpu.wait_indirect_dma semaphore(%arg12 : memref<!tpu.dma_semaphore, #tpu.memory_space<semaphore_mem>>) src(%dma_wait3A_23 : memref<10000x32xf32, #tpu.memory_space<hbm>>) dst(%arg9 : memref<125x32xf32, #tpu.memory_space<vmem>>)
      "tpu.region"() ({
        %run_scoped3A = tpu.sem_alloc : memref<!tpu.dma_semaphore, #tpu.memory_space<semaphore_mem>>
        %dma_start3A_24 = arith.constant 0 : i32
        %dma_start3A_25 = tpu.memref_slice %arg8[%add3A_13, %dma_start3A_24] : memref<80x125xi32, #tpu.memory_space<vmem>> -> memref<1x125xi32, #tpu.memory_space<vmem>>
        %dma_start3A_26 = tpu.memref_squeeze %dma_start3A_25 : memref<1x125xi32, #tpu.memory_space<vmem>> -> memref<125xi32, #tpu.memory_space<vmem>>
        %dma_start3A_27 = arith.constant 0 : i32
        %dma_start3A_28 = arith.constant 0 : i32
        %dma_start3A_29 = tpu.memref_slice %arg11[%dma_start3A_27, %dma_start3A_28] : memref<10240x32xf32, #tpu.memory_space<vmem_shared>> -> memref<10240x32xf32, #tpu.memory_space<vmem_shared>>
        tpu.enqueue_indirect_dma source(%arg9 : memref<125x32xf32, #tpu.memory_space<vmem>>) target(%dma_start3A_29 : memref<10240x32xf32, #tpu.memory_space<vmem_shared>>) offsets(%dma_start3A_26 : memref<125xi32, #tpu.memory_space<vmem>>) semaphore(%run_scoped3A : memref<!tpu.dma_semaphore, #tpu.memory_space<semaphore_mem>>) {add = true}
        %dma_wait3A_30 = arith.constant 0 : i32
        %dma_wait3A_31 = tpu.memref_slice %arg8[%add3A_13, %dma_wait3A_30] : memref<80x125xi32, #tpu.memory_space<vmem>> -> memref<1x125xi32, #tpu.memory_space<vmem>>
        %dma_wait3A_32 = tpu.memref_squeeze %dma_wait3A_31 : memref<1x125xi32, #tpu.memory_space<vmem>> -> memref<125xi32, #tpu.memory_space<vmem>>
        %dma_wait3A_33 = arith.constant 0 : i32
        %dma_wait3A_34 = arith.constant 0 : i32
        %dma_wait3A_35 = tpu.memref_slice %arg11[%dma_wait3A_33, %dma_wait3A_34] : memref<10240x32xf32, #tpu.memory_space<vmem_shared>> -> memref<10240x32xf32, #tpu.memory_space<vmem_shared>>
        tpu.wait_indirect_dma semaphore(%run_scoped3A : memref<!tpu.dma_semaphore, #tpu.memory_space<semaphore_mem>>) src(%arg9 : memref<125x32xf32, #tpu.memory_space<vmem>>) dst(%dma_wait3A_35 : memref<10240x32xf32, #tpu.memory_space<vmem_shared>>)
        tpu.yield
      }) : () -> ()
    }
    %scan3A_4 = arith.constant 80 : i32
    %barrier3A_5 = arith.constant 0 : index
    tpu.barrier barrier_id(%barrier3A_5)
    %mul3A_6 = arith.constant 640 : i32
    %mul3A_7 = arith.muli %arg1, %mul3A_6 : i32
    %mul3A_8 = arith.constant 640 : i32
    %mul3A_9 = arith.muli %arg1, %mul3A_8 : i32
    "tpu.region"() ({
      %run_scoped3A = tpu.sem_alloc : memref<!tpu.dma_semaphore, #tpu.memory_space<semaphore_mem>>
      %dma_start3A = arith.constant 0 : i32
      %dma_start3A_10 = tpu.memref_slice %arg6[%arg0, %mul3A_9, %dma_start3A] : memref<2x10240x32xf32, #tpu.memory_space<hbm>> -> memref<1x640x32xf32, #tpu.memory_space<hbm>>
      %dma_start3A_11 = tpu.memref_squeeze %dma_start3A_10 : memref<1x640x32xf32, #tpu.memory_space<hbm>> -> memref<640x32xf32, #tpu.memory_space<hbm>>
      %dma_start3A_12 = arith.constant 0 : i32
      %dma_start3A_13 = tpu.memref_slice %arg11[%mul3A_7, %dma_start3A_12] : memref<10240x32xf32, #tpu.memory_space<vmem_shared>> -> memref<640x32xf32, #tpu.memory_space<vmem_shared>>
      tpu.enqueue_dma source(%dma_start3A_13 : memref<640x32xf32, #tpu.memory_space<vmem_shared>>) target(%dma_start3A_11 : memref<640x32xf32, #tpu.memory_space<hbm>>) target_semaphore(%run_scoped3A : memref<!tpu.dma_semaphore, #tpu.memory_space<semaphore_mem>>)
      %dma_wait3A = arith.constant 0 : i32
      %dma_wait3A_14 = tpu.memref_slice %arg6[%arg0, %mul3A_9, %dma_wait3A] : memref<2x10240x32xf32, #tpu.memory_space<hbm>> -> memref<1x640x32xf32, #tpu.memory_space<hbm>>
      %dma_wait3A_15 = tpu.memref_squeeze %dma_wait3A_14 : memref<1x640x32xf32, #tpu.memory_space<hbm>> -> memref<640x32xf32, #tpu.memory_space<hbm>>
      %dma_wait3A_16 = arith.constant 0 : i32
      %dma_wait3A_17 = tpu.memref_slice %arg11[%mul3A_7, %dma_wait3A_16] : memref<10240x32xf32, #tpu.memory_space<vmem_shared>> -> memref<640x32xf32, #tpu.memory_space<vmem_shared>>
      tpu.wait_dma2 semaphore(%run_scoped3A : memref<!tpu.dma_semaphore, #tpu.memory_space<semaphore_mem>>) src(%dma_wait3A_17 : memref<640x32xf32, #tpu.memory_space<vmem_shared>>) dst(%dma_wait3A_15 : memref<640x32xf32, #tpu.memory_space<hbm>>)
      tpu.yield
    }) : () -> ()
    return
  }
}

module attributes {stable_mosaic.version = 14 : i64} {
  func.func @_k1_body(%arg0: memref<10000x128xf32, #tpu.memory_space<vmem>>, %arg1: memref<128x64xf32, #tpu.memory_space<vmem>>, %arg2: memref<10000x2xf32, #tpu.memory_space<vmem>>, %arg3: memref<10000x64xf32, #tpu.memory_space<vmem>>, %arg4: memref<10000x1xf32, #tpu.memory_space<vmem>>) attributes {dimension_semantics = [], scalar_prefetch = 0 : i64, scratch_operands = 0 : i64, tpu.core_type = #tpu.core_type<tc>} {
    %get3A = arith.constant 0 : index
    %get3A_0 = arith.constant 0 : index
    %get3A_1 = vector.load %arg2[%get3A, %get3A_0] : memref<10000x2xf32, #tpu.memory_space<vmem>>, vector<10000x1xf32>
    %get3A_2 = arith.constant 0 : index
    %get3A_3 = arith.constant 1 : index
    %get3A_4 = vector.load %arg2[%get3A_2, %get3A_3] : memref<10000x2xf32, #tpu.memory_space<vmem>>, vector<10000x1xf32>
    %add3A = arith.addf %get3A_1, %get3A_4 : vector<10000x1xf32>
    %add3A_5 = arith.constant 1.000000e+00 : f32
    %add3A_6 = vector.broadcast %add3A_5 : f32 to vector<10000x1xf32>
    %add3A_7 = arith.addf %add3A, %add3A_6 : vector<10000x1xf32>
    %rsqrt3A = math.rsqrt %add3A_7 : vector<10000x1xf32>
    %swap3A = arith.constant 0 : index
    %swap3A_8 = arith.constant 0 : index
    %swap3A_9 = vector.load %arg4[%swap3A, %swap3A_8] : memref<10000x1xf32, #tpu.memory_space<vmem>>, vector<10000x1xf32>
    tpu.vector_store %arg4[%swap3A, %swap3A_8], %rsqrt3A {strides = array<i32>} : memref<10000x1xf32, #tpu.memory_space<vmem>>, vector<10000x1xf32>,
    %get3A_10 = arith.constant 0 : index
    %get3A_11 = arith.constant 0 : index
    %get3A_12 = vector.load %arg0[%get3A_10, %get3A_11] : memref<10000x128xf32, #tpu.memory_space<vmem>>, vector<10000x128xf32>
    %get3A_13 = arith.constant 0 : index
    %get3A_14 = arith.constant 0 : index
    %get3A_15 = vector.load %arg1[%get3A_13, %get3A_14] : memref<128x64xf32, #tpu.memory_space<vmem>>, vector<128x64xf32>
    %dot_general3A = arith.constant dense<0.000000e+00> : vector<10000x64xf32>
    %dot_general3A_16 = tpu.matmul %get3A_12, %get3A_15, %dot_general3A {dimension_numbers = #tpu.dot_dimension_numbers<[1], [0], [0], [1], [0, 0, 1, 1], [], []>, transpose_lhs_hint = false} : vector<10000x128xf32>, vector<128x64xf32>, vector<10000x64xf32> -> vector<10000x64xf32>
    %mul3A = vector.broadcast %rsqrt3A : vector<10000x1xf32> to vector<10000x64xf32>
    %mul3A_17 = arith.mulf %dot_general3A_16, %mul3A : vector<10000x64xf32>
    %swap3A_18 = arith.constant 0 : index
    %swap3A_19 = arith.constant 0 : index
    %swap3A_20 = vector.load %arg3[%swap3A_18, %swap3A_19] : memref<10000x64xf32, #tpu.memory_space<vmem>>, vector<10000x64xf32>
    tpu.vector_store %arg3[%swap3A_18, %swap3A_19], %mul3A_17 {strides = array<i32>} : memref<10000x64xf32, #tpu.memory_space<vmem>>, vector<10000x64xf32>,
    return
  }
}

module attributes {stable_mosaic.version = 14 : i64} {
  func.func @_k2_body(%arg0: memref<2x10240x64xf32, #tpu.memory_space<vmem>>, %arg1: memref<10000x64xf32, #tpu.memory_space<vmem>>, %arg2: memref<10000x1xf32, #tpu.memory_space<vmem>>, %arg3: memref<1x64xf32, #tpu.memory_space<vmem>>, %arg4: memref<64x32xf32, #tpu.memory_space<vmem>>, %arg5: memref<10000x32xf32, #tpu.memory_space<vmem>>) attributes {dimension_semantics = [], scalar_prefetch = 0 : i64, scratch_operands = 0 : i64, tpu.core_type = #tpu.core_type<tc>} {
    %get3A = arith.constant 0 : index
    %get3A_0 = arith.constant 0 : index
    %get3A_1 = vector.load %arg2[%get3A, %get3A_0] : memref<10000x1xf32, #tpu.memory_space<vmem>>, vector<10000x1xf32>
    %get3A_2 = arith.constant 0 : index
    %get3A_3 = arith.constant 0 : index
    %get3A_4 = arith.constant 0 : index
    %get3A_5 = vector.load %arg0[%get3A_2, %get3A_3, %get3A_4] : memref<2x10240x64xf32, #tpu.memory_space<vmem>>, vector<1x10000x64xf32>
    %get3A_6 = vector.shape_cast %get3A_5 : vector<1x10000x64xf32> to vector<10000x64xf32>
    %get3A_7 = arith.constant 1 : index
    %get3A_8 = arith.constant 0 : index
    %get3A_9 = arith.constant 0 : index
    %get3A_10 = vector.load %arg0[%get3A_7, %get3A_8, %get3A_9] : memref<2x10240x64xf32, #tpu.memory_space<vmem>>, vector<1x10000x64xf32>
    %get3A_11 = vector.shape_cast %get3A_10 : vector<1x10000x64xf32> to vector<10000x64xf32>
    %add3A = arith.addf %get3A_6, %get3A_11 : vector<10000x64xf32>
    %get3A_12 = arith.constant 0 : index
    %get3A_13 = arith.constant 0 : index
    %get3A_14 = vector.load %arg1[%get3A_12, %get3A_13] : memref<10000x64xf32, #tpu.memory_space<vmem>>, vector<10000x64xf32>
    %add3A_15 = arith.addf %add3A, %get3A_14 : vector<10000x64xf32>
    %mul3A = vector.broadcast %get3A_1 : vector<10000x1xf32> to vector<10000x64xf32>
    %mul3A_16 = arith.mulf %add3A_15, %mul3A : vector<10000x64xf32>
    %get3A_17 = arith.constant 0 : index
    %get3A_18 = arith.constant 0 : index
    %get3A_19 = vector.load %arg3[%get3A_17, %get3A_18] : memref<1x64xf32, #tpu.memory_space<vmem>>, vector<1x64xf32>
    %add3A_20 = vector.broadcast %get3A_19 : vector<1x64xf32> to vector<10000x64xf32>
    %add3A_21 = arith.addf %mul3A_16, %add3A_20 : vector<10000x64xf32>
    %max3A = arith.constant 0.000000e+00 : f32
    %max3A_22 = vector.broadcast %max3A : f32 to vector<10000x64xf32>
    %max3A_23 = arith.maximumf %add3A_21, %max3A_22 : vector<10000x64xf32>
    %get3A_24 = arith.constant 0 : index
    %get3A_25 = arith.constant 0 : index
    %get3A_26 = vector.load %arg4[%get3A_24, %get3A_25] : memref<64x32xf32, #tpu.memory_space<vmem>>, vector<64x32xf32>
    %dot_general3A = arith.constant dense<0.000000e+00> : vector<10000x32xf32>
    %dot_general3A_27 = tpu.matmul %max3A_23, %get3A_26, %dot_general3A {dimension_numbers = #tpu.dot_dimension_numbers<[1], [0], [0], [1], [0, 0, 1, 1], [], []>, transpose_lhs_hint = false} : vector<10000x64xf32>, vector<64x32xf32>, vector<10000x32xf32> -> vector<10000x32xf32>
    %mul3A_28 = vector.broadcast %get3A_1 : vector<10000x1xf32> to vector<10000x32xf32>
    %mul3A_29 = arith.mulf %dot_general3A_27, %mul3A_28 : vector<10000x32xf32>
    %swap3A = arith.constant 0 : index
    %swap3A_30 = arith.constant 0 : index
    %swap3A_31 = vector.load %arg5[%swap3A, %swap3A_30] : memref<10000x32xf32, #tpu.memory_space<vmem>>, vector<10000x32xf32>
    tpu.vector_store %arg5[%swap3A, %swap3A_30], %mul3A_29 {strides = array<i32>} : memref<10000x32xf32, #tpu.memory_space<vmem>>, vector<10000x32xf32>,
    return
  }
}

module attributes {stable_mosaic.version = 14 : i64} {
  func.func @_k3_body(%arg0: memref<2x10240x32xf32, #tpu.memory_space<vmem>>, %arg1: memref<10000x32xf32, #tpu.memory_space<vmem>>, %arg2: memref<10000x1xf32, #tpu.memory_space<vmem>>, %arg3: memref<1x32xf32, #tpu.memory_space<vmem>>, %arg4: memref<32x32xf32, #tpu.memory_space<vmem>>, %arg5: memref<1x32xf32, #tpu.memory_space<vmem>>, %arg6: memref<32x2xf32, #tpu.memory_space<vmem>>, %arg7: memref<1x2xf32, #tpu.memory_space<vmem>>, %arg8: memref<10000x2xf32, #tpu.memory_space<vmem>>) attributes {dimension_semantics = [], scalar_prefetch = 0 : i64, scratch_operands = 0 : i64, tpu.core_type = #tpu.core_type<tc>} {
    %get3A = arith.constant 0 : index
    %get3A_0 = arith.constant 0 : index
    %get3A_1 = vector.load %arg2[%get3A, %get3A_0] : memref<10000x1xf32, #tpu.memory_space<vmem>>, vector<10000x1xf32>
    %get3A_2 = arith.constant 0 : index
    %get3A_3 = arith.constant 0 : index
    %get3A_4 = arith.constant 0 : index
    %get3A_5 = vector.load %arg0[%get3A_2, %get3A_3, %get3A_4] : memref<2x10240x32xf32, #tpu.memory_space<vmem>>, vector<1x10000x32xf32>
    %get3A_6 = vector.shape_cast %get3A_5 : vector<1x10000x32xf32> to vector<10000x32xf32>
    %get3A_7 = arith.constant 1 : index
    %get3A_8 = arith.constant 0 : index
    %get3A_9 = arith.constant 0 : index
    %get3A_10 = vector.load %arg0[%get3A_7, %get3A_8, %get3A_9] : memref<2x10240x32xf32, #tpu.memory_space<vmem>>, vector<1x10000x32xf32>
    %get3A_11 = vector.shape_cast %get3A_10 : vector<1x10000x32xf32> to vector<10000x32xf32>
    %add3A = arith.addf %get3A_6, %get3A_11 : vector<10000x32xf32>
    %get3A_12 = arith.constant 0 : index
    %get3A_13 = arith.constant 0 : index
    %get3A_14 = vector.load %arg1[%get3A_12, %get3A_13] : memref<10000x32xf32, #tpu.memory_space<vmem>>, vector<10000x32xf32>
    %add3A_15 = arith.addf %add3A, %get3A_14 : vector<10000x32xf32>
    %mul3A = vector.broadcast %get3A_1 : vector<10000x1xf32> to vector<10000x32xf32>
    %mul3A_16 = arith.mulf %add3A_15, %mul3A : vector<10000x32xf32>
    %get3A_17 = arith.constant 0 : index
    %get3A_18 = arith.constant 0 : index
    %get3A_19 = vector.load %arg3[%get3A_17, %get3A_18] : memref<1x32xf32, #tpu.memory_space<vmem>>, vector<1x32xf32>
    %add3A_20 = vector.broadcast %get3A_19 : vector<1x32xf32> to vector<10000x32xf32>
    %add3A_21 = arith.addf %mul3A_16, %add3A_20 : vector<10000x32xf32>
    %max3A = arith.constant 0.000000e+00 : f32
    %max3A_22 = vector.broadcast %max3A : f32 to vector<10000x32xf32>
    %max3A_23 = arith.maximumf %add3A_21, %max3A_22 : vector<10000x32xf32>
    %get3A_24 = arith.constant 0 : index
    %get3A_25 = arith.constant 0 : index
    %get3A_26 = vector.load %arg4[%get3A_24, %get3A_25] : memref<32x32xf32, #tpu.memory_space<vmem>>, vector<32x32xf32>
    %dot_general3A = arith.constant dense<0.000000e+00> : vector<10000x32xf32>
    %dot_general3A_27 = tpu.matmul %max3A_23, %get3A_26, %dot_general3A {dimension_numbers = #tpu.dot_dimension_numbers<[1], [0], [0], [1], [0, 0, 1, 1], [], []>, transpose_lhs_hint = false} : vector<10000x32xf32>, vector<32x32xf32>, vector<10000x32xf32> -> vector<10000x32xf32>
    %get3A_28 = arith.constant 0 : index
    %get3A_29 = arith.constant 0 : index
    %get3A_30 = vector.load %arg5[%get3A_28, %get3A_29] : memref<1x32xf32, #tpu.memory_space<vmem>>, vector<1x32xf32>
    %add3A_31 = vector.broadcast %get3A_30 : vector<1x32xf32> to vector<10000x32xf32>
    %add3A_32 = arith.addf %dot_general3A_27, %add3A_31 : vector<10000x32xf32>
    %max3A_33 = arith.constant 0.000000e+00 : f32
    %max3A_34 = vector.broadcast %max3A_33 : f32 to vector<10000x32xf32>
    %max3A_35 = arith.maximumf %add3A_32, %max3A_34 : vector<10000x32xf32>
    %get3A_36 = arith.constant 0 : index
    %get3A_37 = arith.constant 0 : index
    %get3A_38 = vector.load %arg6[%get3A_36, %get3A_37] : memref<32x2xf32, #tpu.memory_space<vmem>>, vector<32x2xf32>
    %dot_general3A_39 = arith.constant dense<0.000000e+00> : vector<10000x2xf32>
    %dot_general3A_40 = tpu.matmul %max3A_35, %get3A_38, %dot_general3A_39 {dimension_numbers = #tpu.dot_dimension_numbers<[1], [0], [0], [1], [0, 0, 1, 1], [], []>, transpose_lhs_hint = false} : vector<10000x32xf32>, vector<32x2xf32>, vector<10000x2xf32> -> vector<10000x2xf32>
    %get3A_41 = arith.constant 0 : index
    %get3A_42 = arith.constant 0 : index
    %get3A_43 = vector.load %arg7[%get3A_41, %get3A_42] : memref<1x2xf32, #tpu.memory_space<vmem>>, vector<1x2xf32>
    %add3A_44 = vector.broadcast %get3A_43 : vector<1x2xf32> to vector<10000x2xf32>
    %add3A_45 = arith.addf %dot_general3A_40, %add3A_44 : vector<10000x2xf32>
    %swap3A = arith.constant 0 : index
    %swap3A_46 = arith.constant 0 : index
    %swap3A_47 = vector.load %arg8[%swap3A, %swap3A_46] : memref<10000x2xf32, #tpu.memory_space<vmem>>, vector<10000x2xf32>
    tpu.vector_store %arg8[%swap3A, %swap3A_46], %add3A_45 {strides = array<i32>} : memref<10000x2xf32, #tpu.memory_space<vmem>>, vector<10000x2xf32>,
    return
  }
}

</mosaic_0001>

<sc_bundles>
// kernel: kernel.11.cloned.1.call-start
scs
__scs_entry_jumppad:
0x0: {  	(pc) =	sbr.rel $0x88, $3  }
0x1: {  	(tag) =	ssettag $0x0;
	lr =	simm.s32 $0x1  }
0x2: {  	[smem:$0x3F97] =	sst lr;
	_ =	strace $0xD0000000  }
0x3: {  	_ = 	snop  }
0x4: {  	_ = 	snop  }
0x5: {  	_ = 	snop  }
0x6: {  	_ = 	snop  }
0x7: {  	_ = 	snop  }
__scs_overlays_trampoline_lowered:
0x8: {  	[smem:$0x3FA6] =	sst s0  }
0x9: {  	[smem:$0x3FA7] =	sst s1  }
0xa: {  	[smem:$0x3FA8] =	sst s2  }
0xb: {  	[smem:$0x3FA9] =	sst s3  }
0xc: {  	[smem:$0x3FAA] =	sst s4  }
0xd: {  	[smem:$0x3FAB] =	sst s5  }
0xe: {  	[smem:$0x3FAC] =	sst s6  }
0xf: {  	[smem:$0x3FAD] =	sst s7  }
0x10: {  	[smem:$0x3FAE] =	sst s8  }
0x11: {  	[smem:$0x3FAF] =	sst s9;
	s0 =	simm.s32 @!p0 $0x0  }
0x12: {  	s1 =	sld [smem:$0x3F95];
	s0 =	simm.s32 @p0 $0x1  }
0x13: {  	[smem:$0x3FB0] =	sst s0;
	s0 =	simm.s32 @!p1 $0x0  }
0x14: {  	s2 =	sld [smem:$0x3F94];
	s0 =	simm.s32 @p1 $0x1  }
0x15: {  	[smem:$0x3FB1] =	sst s0;
	s0 =	simm.s32 @!p2 $0x0  }
0x16: {  	s3 =	sld [smem:$0x3FDB];
	s0 =	simm.s32 @p2 $0x1  }
0x17: {  	s4 =	simm.s32 $0x1BF5;
	[smem:$0x3FB3] =	sst s0  }
0x18: {  	s0 =	sld [smem:$0x3F96];
	_ =	swait.ge [sflag:s4], $0x0  }
0x19: {  	s7 =	sld [smem:$0x3F97]  }
0x1a: {  	s8 =	sadd.s32 $0xFFFFE003, lr  }
0x1b: {  	s9 =	sadd.s32 $0xFFFFFEF7, lr;
	s5 =	simm.s32 $0xFFFFFFFF;
	p2 =	slt.u32 s8, $0xFFFFF086  }
0x1c: {  	p1 =	slt.u32 s9, $0xF7A;
	s5 =	simm.s32 @!p2 $0x0  }
0x1d: {  	s5 =	simm.s32 @p1 $0x1;
	p0 =	seq.s32 s7, s2  }
0x1e: {  	s7 =	smul.u32 @!p0 $0xF7A, s2;
	p2 =	seq.s32 @!p0 s5, $0x0  }
0x1f: {  	s9 =	smul.u32 $0xF7A, s1;
	s8 =	simm.s32 @!p0 $0x1BF5;
	p2 =	por !p2, p0  }
0x20: {  	[sflag:s8] =	ssyncset.s32 @!p0 $0xFFFFF086;
	s6 =	sadd.s32 @!p0 s3, s7;
	s7 =	simm.s32 @!p0 $0x108  }
0x21: {  	s3 =	sadd.s32 s3, s9;
	s6 =	sadd.s32 @!p0 $0x88, s6;
	s7 =	simm.s32 @p2 $0x1082  }
0x22: {  	[simem:s7], [sflag:s8] =	dma.local @!p0 [hbm:s6], $0xF7A  }
0x23: {  	s9 =	sor.u32 $0xD0000000, s2;
	s6 =	simm.s32 $0x108;
	_ =	swait.ge @!p0 [sflag:s8], $0x0  }
0x24: {  	s3 =	sadd.s32 $0x88, s3;
	s6 =	simm.s32 @!p1 $0x1082;
	[sflag:s4] =	ssyncset.s32 $0xFFFFF086  }
0x25: {  	[simem:s6], [sflag:s4] =	dma.local [hbm:s3], $0xF7A  }
0x26: {  	[smem:$0x3F97] =	sst s1;
	(tag) =	ssettag s2;
	_ =	strace s9  }
0x27: {  	s1 =	sld [smem:$0x3FA7]  }
0x28: {  	s2 =	sld [smem:$0x3FA8]  }
0x29: {  	s4 =	sld [smem:$0x3FAA]  }
0x2a: {  	p0 =	seq.s32 s5, $0x0;
	s5 =	sld [smem:$0x3FAB]  }
0x2b: {  	s6 =	sld [smem:$0x3FAC]  }
0x2c: {  	s7 =	sld [smem:$0x3FAD]  }
0x2d: {  	s3 =	simm.s32 $0x108;
	s8 =	sld [smem:$0x3FAE]  }
0x2e: {  	s3 =	simm.s32 @!p0 $0x1082;
	s9 =	sld [smem:$0x3FAF]  }
0x2f: {  	lr =	sadd.s32 s0, s3;
	s0 =	sld [smem:$0x3FA6]  }
0x30: {  	s3 =	sld [smem:$0x3FA9]  }
0x31: {  	[smem:$0x3FB2] =	sst s10  }
0x32: {  	s10 =	sld [smem:$0x3FB0];
	_ =	sdelay $0x3  }
0x33: {  	p0 =	seq.s32 s10, $0x1;
	s10 =	sld [smem:$0x3FB2];
	_ =	sdelay $0x3  }
0x34: {  	[smem:$0x3FB2] =	sst s10  }
0x35: {  	s10 =	sld [smem:$0x3FB1];
	_ =	sdelay $0x3  }
0x36: {  	p1 =	seq.s32 s10, $0x1;
	s10 =	sld [smem:$0x3FB2];
	_ =	sdelay $0x3  }
0x37: {  	[smem:$0x3FB2] =	sst s10  }
0x38: {  	s10 =	sld [smem:$0x3FB3]  }
0x39: {  	_ = 	snop;
	(pc) =	sbr.ind lr, $3  }
0x3a: {  	_ = 	snop  }
0x3b: {  	_ = 	snop  }
0x3c: {  	p2 =	seq.s32 s10, $0x1;
	s10 =	sld [smem:$0x3FB2]  }
0x3d: {  	_ =	shalt  }
0x3e: {  	_ =	shalt  }
0x3f: {  	_ =	shalt  }
0x40: {  	_ =	shalt  }
0x41: {  	_ =	shalt  }
0x42: {  	_ =	shalt  }
0x43: {  	_ =	shalt  }
0x44: {  	_ =	shalt  }
0x45: {  	_ =	shalt  }
0x46: {  	_ =	shalt  }
0x47: {  	_ =	shalt  }
0x48: {  	_ =	shalt  }
0x49: {  	_ =	shalt  }
0x4a: {  	_ =	shalt  }
0x4b: {  	_ =	shalt  }
0x4c: {  	_ =	shalt  }
0x4d: {  	_ =	shalt  }
0x4e: {  	_ =	shalt  }
0x4f: {  	_ =	shalt  }
0x50: {  	_ =	shalt  }
0x51: {  	_ =	shalt  }
0x52: {  	_ =	shalt  }
0x53: {  	_ =	shalt  }
0x54: {  	_ =	shalt  }
0x55: {  	_ =	shalt  }
0x56: {  	_ =	shalt  }
0x57: {  	_ =	shalt  }
0x58: {  	_ =	shalt  }
0x59: {  	_ =	shalt  }
0x5a: {  	_ =	shalt  }
0x5b: {  	_ =	shalt  }
0x5c: {  	_ =	shalt  }
0x5d: {  	_ =	shalt  }
0x5e: {  	_ =	shalt  }
0x5f: {  	_ =	shalt  }
0x60: {  	_ =	shalt  }
0x61: {  	_ =	shalt  }
0x62: {  	_ =	shalt  }
0x63: {  	_ =	shalt  }
0x64: {  	_ =	shalt  }
0x65: {  	_ =	shalt  }
0x66: {  	_ =	shalt  }
0x67: {  	_ =	shalt  }
0x68: {  	_ =	shalt  }
0x69: {  	_ =	shalt  }
0x6a: {  	_ =	shalt  }
0x6b: {  	_ =	shalt  }
0x6c: {  	_ =	shalt  }
0x6d: {  	_ =	shalt  }
0x6e: {  	_ =	shalt  }
0x6f: {  	_ =	shalt  }
0x70: {  	_ =	shalt  }
0x71: {  	_ =	shalt  }
0x72: {  	_ =	shalt  }
0x73: {  	_ =	shalt  }
0x74: {  	_ =	shalt  }
0x75: {  	_ =	shalt  }
0x76: {  	_ =	shalt  }
0x77: {  	_ =	shalt  }
0x78: {  	_ =	shalt  }
0x79: {  	_ =	shalt  }
0x7a: {  	_ =	shalt  }
0x7b: {  	_ =	shalt  }
0x7c: {  	_ =	shalt  }
0x7d: {  	_ =	shalt  }
0x7e: {  	_ =	shalt  }
0x7f: {  	_ =	shalt  }
0x80: {  	_ =	shalt  }
0x81: {  	_ =	shalt  }
0x82: {  	_ =	shalt  }
0x83: {  	_ =	shalt  }
0x84: {  	_ =	shalt  }
0x85: {  	_ =	shalt  }
0x86: {  	_ =	shalt  }
0x87: {  	_ =	shalt  }
.Lfunc_end0:
.L_simem_size_0:
called_computation.1_lowered:
.L_overlay_start_0:
0x88: {  	s2 =	sld [smem:$0x3FD9]  }
0x89: {  	s3 =	sld [smem:$0x3FFE];
	_ =	sdelay $0x1  }
0x8a: {  	s1 =	srdreg.scid  }
0x8b: {  	s0 =	sand.u32 $0x1, s1  }
0x8c: {  	s16 =	sshll.u32 s0, $0xA;
	s2 =	sadd.s32 s3, s2  }
0x8d: {  	s2 =	sadd.s32 s2, s16  }
0x8e: {  	[smem:$0x3FBE] =	sst s2  }
0x8f: {  	_ = 	snop  }
0x90: {  	(tm) =	ssettm $0x1  }
0x91: {  	s17 =	sld [smem:$0x3FFB];
	_ =	sdelay $0x3  }
0x92: {  	_ =	strace s17  }
0x93: {  	s2 =	sld [smem:$0x3FFC];
	_ =	sdelay $0x3  }
0x94: {  	_ =	strace s2  }
0x95: {  	s2 =	sld [smem:$0x3FFD];
	_ =	sdelay $0x3  }
0x96: {  	_ =	strace s2  }
0x97: {  	_ =	strace $0x8FFFFFFF  }
0x98: {  	s18 =	sld [smem:$0x3FDB];
	_ =	sdelay $0x1  }
0x99: {  	s19 =	simm.s32 $_scs_section_size  }
0x9a: {  	s4 =	simm.s32 $_size__tile_overlayer_lowered;
	s5 =	simm.s32 $_tile_overlayer_lowered  }
0x9b: {  	s22 =	simm.s32 $0x1BFF;
	s21 =	sshll.u32 s5, $0x1;
	s2 =	sadd.s32 s19, s18  }
0x9c: {  	s6 =	simm.s32 $0x0;
	s20 =	sshll.u32 s4, $0x1;
	s4 =	sadd.s32 s21, s2  }
0x9d: {  	[timem:s6], [sflag:s22] =	dma.local [hbm:s4], s20  }
0x9e: {  	_ =	swait.ge [sflag:s22], s20  }
0x9f: {  	s3 =	ssub.s32 $0x0, s20;
	[sflag:s22] =	ssyncset.done $0x0  }
0xa0: {  	[sflag:s22] =	ssyncadd.s32 s3;
	_ =	sdelay $0x1  }
0xa1: {  	s23 =	simm.s32 $0x1B8B  }
0xa2: {  	_ =	swait.ge [sflag:s23], $0x1  }
0xa3: {  	[sflag:s23] =	ssyncset.done $0x0  }
0xa4: {  	s25 =	simm.s32 $0x1B8E;
	s24 =	sld [smem:$0x3FFE];
	[sflag:s23] =	ssyncadd.s32 $0xFFFFFFFF  }
0xa5: {  	s26 =	simm.s32 $execute0_lowered;
	[smem:$0x3FD2] =	sst s25  }
0xa6: {  	s4 =	sshll.u32 s26, $0x1;
	_ =	strace $0x80000049;
	[dreg:$0x1] =	wrdreg $0xFFFFFFFF  }
0xa7: {  	s28 =	simm.s32 $_size_execute0_lowered;
	s2 =	sadd.s32 s2, s4;
	[dreg:$0x0] =	wrdreg $0x0  }
0xa8: {  	s4 =	sshll.u32 s28, $0x1;
	[dreg:$0x2] =	wrdreg s2  }
0xa9: {  	[dreg:$0x3] =	wrdreg s4  }
0xaa: {  	[dreg:$0x4] =	wrdreg $0xC0  }
0xab: {  	_ =	task [dreg:s6], $0x5FFFF  }
0xac: {  	[dreg:$0x1] =	wrdreg $0xFFFFFFFF  }
0xad: {  	[dreg:$0x0] =	wrdreg $0x60  }
0xae: {  	[dreg:$0x2] =	wrdreg s24  }
0xaf: {  	[dreg:$0x3] =	wrdreg $0x10F400  }
0xb0: {  	[dreg:$0x4] =	wrdreg $0x9  }
0xb1: {  	_ =	task.clear_ibuf [dreg:s6], $0x5FFFF;
	_ =	strace $0x90000049  }
0xb2: {  	s29 =	simm.s32 $0x9;
	_ =	strace $0x8000004B  }
0xb3: {  	_ =	swait.ge [sflag:s29], $0x1  }
0xb4: {  	[sflag:s29] =	ssyncadd.s32 $0xFFFFFFFF  }
0xb5: {  	_ =	strace $0x9000004B  }
0xb6: {  	_ =	sfence  }
0xb7: {  	s30 =	sld [smem:$0x0];
	_ =	sdelay $0x2  }
0xb8: {  	s31 =	sshll.u32 s1, $0xD;
	s1 =	sshrl.u32 s1, $0x2  }
0xb9: {  	s3 =	sand.u32 $0x4000, s31;
	s1 =	sadd.s32 s1, s30  }
0xba: {  	s0 =	sor.u32 s3, s0;
	s1 =	sshll.u32 s1, $0x11  }
0xbb: {  	s0 =	sor.u32 s1, s0  }
0xbc: {  	s0 =	sadd.s32 $0x8F2B, s0  }
0xbd: {  	[sflag:s0] =	ssyncadd.remote.s32 $0x1  }
0xbe: {  	_ =	sfence.sel $0xFFFF  }
0xbf: {  	[dreg:$0x0] =	wrdreg $0xFFFFFFFF;
	(pc) =	sbr.abs _section_cstart, $3  }
0xc0: {  	[dreg:$0x1] =	wrdreg $0xFFFFFFFF  }
0xc1: {  	_ =	task.clear_ibuf [dreg:s6], $0x2FFFF;
	_ =	strace $0x9FFFFFFF  }
0xc2: {  	(tm) =	ssettm $0x7FFFFFFF  }
0xc3: {  	_ =	shalt  }
tec
execute0_lowered:
.L_overlay_start_1:
0x0: {  	(tag) =	ssettag $0x1  }
0x1: {  	s6 =	rddreg [dreg:$0x0]  }
0x2: {  	s0 =	srdreg.scid;
	s2 =	rddreg [dreg:$0x1]  }
0x3: {  	s1 =	rddreg [dreg:$0x2];
	s3 =	simm.s32 $0x0;
	s5 =	sand.u32 $0x1, s0  }
0x4: {  	s13 =	simm.s32 $0x6F40;
	s0 =	stileid.u32;
	s7 =	smul.u32 $0x28000, s5  }
0x5: {  	s14 =	simm.s32 $0x7D;
	s15 =	simm.s32 $0x5000;
	s8 =	smul.u32 $0x2800, s0  }
0x6: {  	s16 =	simm.s32 $0x1;
	s19 =	simm.s32 $0x0;
	s9 =	smul.u32 $0xA000, s0  }
0x7: {  	[smem:$0x7FF] =	sst s3;
	s4 =	sadd.s32 $0x1B000, s6;
	s10 =	smul.u32 $0xA0000, s5  }
0x8: {  	_ =	strace $0x8000004A;
	s31 =	ssub.s32 $0x2, s5;
	s17 =	sshll.u32 s0, $0x6  }
0x9: {  	s5 =	sadd.s32 $0xBE00, s6;
	s11 =	sshrl.u32 s31, $0x1;
	s17 =	sor.u32 $0x1C02, s17  }
0xa: {  	s7 =	sadd.s32 s8, s7;
	s30 =	sadd.s32 s9, s10;
	s10 =	ssub.s32 s31, s11  }
0xb: {  	s11 =	simm.s32 $0x2;
	s7 =	sshrl.u32 s7, $0x3;
	s8 =	sshrl.u32 s30, $0x3  }
0xc: {  	s10 =	smax.u32 s10, $0x1;
	s7 =	sadd.s32 s7, s6;
	s12 =	sadd.s32 s8, s6  }
0xd: {  	s8 =	sadd.s32 s9, s2;
	s6 =	sadd.s32 $0x11000, s7;
	s7 =	sadd.s32 $0x1E00, s7  }
0xe: {  	s9 =	sadd.s32 $0x2EA00, s12;
	s12 =	simm.s32 $0x2800;
	s18 =	sshrl.u32 s8, $0x3  }
.LBB2_1:
0xf: {  	[tilespmem:s3], [sflag:$0x2] =	stream.linear.gather [hbm4b:s6+s3], $0x2800, $0x38;
	[tilespmem:$0x1AF40] =	vst v63  }
0x10: {  	_ =	swait.ge [sflag:s11], $0x2800  }
0x11: {  	[sflag:s11] =	ssyncset.done $0x0  }
0x12: {  	[sflag:s11] =	ssyncadd.s32 $0xFFFFD800  }
0x13: {  	[tilespmem:s12], [sflag:$0x2] =	stream.linear.gather [hbm4b:s7+s3], $0x2800, $0x38;
	[tilespmem:$0x1AF40] =	vst v63  }
0x14: {  	_ =	swait.ge [sflag:s11], $0x2800  }
0x15: {  	[sflag:s11] =	ssyncset.done $0x0  }
0x16: {  	[sflag:s11] =	ssyncadd.s32 $0xFFFFD800  }
0x17: {  	[tilespmem:s13], [sflag:$0x2] =	stream.linear.gather [hbm4b:s5+s3], $0xA000, $0x38;
	[tilespmem:$0x1AF40] =	vst v63  }
0x18: {  	_ =	swait.ge [sflag:s11], $0xA000  }
0x19: {  	[sflag:s11] =	ssyncset.done $0x0  }
0x1a: {  	[sflag:s11] =	ssyncadd.s32 $0xFFFF6000  }
0x1b: {  	[spmem:s8] =	stream.linear.scatter [tilespmem:s13], [sflag:$0x2], $0xA000, $0x38;
	[tilespmem:$0x1AF40] =	vst v63  }
0x1c: {  	_ =	swait.ge [sflag:s11], $0xA000  }
0x1d: {  	[sflag:s11] =	ssyncset.done $0x0  }
0x1e: {  	[sflag:s11] =	ssyncadd.s32 $0xFFFF6000  }
0x1f: {  	s20 =	simm.s32 $0x0;
	[bflag:$0x0] =	sbarrier.arrive $0xFFFF  }
0x20: {  	[tilespmem:s15], [sflag:$0x1] =	stream.indirect.gather [hbm4b:s4+s14], $0x40, s20, s14, $0xb8;
	[tilespmem:$0x1AF40] =	vst v63  }
0x21: {  	_ =	swait.ge [sflag:s16], $0x1F40  }
0x22: {  	[sflag:s16] =	ssyncset.done $0x0  }
0x23: {  	s31 =	simm.s32 $0x2800;
	[sflag:s16] =	ssyncadd.s32 $0xFFFFE0C0  }
0x24: {  	[spmem:s2] =	stream.indirect.scatter.add.f32 [tilespmem:s15], [sflag:$0x2], $0x40, s31, s14, $0xb8;
	[tilespmem:$0x1AF40] =	vst v63  }
0x25: {  	_ =	swait.ge [sflag:s11], $0x1F40  }
0x26: {  	s21 =	simm.s32 $0x400;
	s20 =	simm.s32 $0x200;
	[sflag:s11] =	ssyncset.done $0x0  }
.LBB2_2:
0x27: {  	s22 =	sshra.s32 s20, $0x2  }
0x28: {  	[sflag:s11] =	ssyncadd.s32 $0xFFFFE0C0;
	s20 =	smov.u32 s21;
	s23 =	sadd.s32 $0x200, s21  }
0x29: {  	[tilespmem:s15], [sflag:$0x1] =	stream.indirect.gather [hbm4b:s4+s14], $0x40, s22, s14, $0xb8;
	[tilespmem:$0x1AF40] =	vst v63  }
0x2a: {  	p0 =	sne.s32 s21, $0x9E00;
	_ =	swait.ge [sflag:s16], $0x1F40  }
.Ltmp0:
0x2b: {  	[sflag:s16] =	ssyncset.done $0x0;
	(pc) =	sbr.rel @p0 .LBB2_2-.Ltmp0, $4  }
0x2c: {  	s21 =	sadd.s32 $0x2800, s22;
	[sflag:s16] =	ssyncadd.s32 $0xFFFFE0C0  }
0x2d: {  	[spmem:s2] =	stream.indirect.scatter.add.f32 [tilespmem:s15], [sflag:$0x2], $0x40, s21, s14, $0xb8;
	[tilespmem:$0x1AF40] =	vst v63  }
0x2e: {  	_ =	swait.ge [sflag:s11], $0x1F40  }
0x2f: {  	s21 =	smov.u32 s23;
	[sflag:s11] =	ssyncset.done $0x0  }
0x30: {  	s20 =	sshra.s32 s20, $0x2;
	[sflag:s11] =	ssyncadd.s32 $0xFFFFE0C0  }
0x31: {  	[tilespmem:s15], [sflag:$0x1] =	stream.indirect.gather [hbm4b:s4+s14], $0x40, s20, s14, $0xb8;
	[tilespmem:$0x1AF40] =	vst v63  }
0x32: {  	_ =	swait.ge [sflag:s16], $0x1F40  }
0x33: {  	[sflag:s16] =	ssyncset.done $0x0  }
0x34: {  	s20 =	sadd.s32 $0x2800, s20;
	[sflag:s16] =	ssyncadd.s32 $0xFFFFE0C0  }
0x35: {  	[spmem:s2] =	stream.indirect.scatter.add.f32 [tilespmem:s15], [sflag:$0x2], $0x40, s20, s14, $0xb8;
	[tilespmem:$0x1AF40] =	vst v63  }
0x36: {  	_ =	swait.ge [sflag:s11], $0x1F40  }
0x37: {  	s19 =	sadd.s32 $0x1, s19;
	[sflag:s11] =	ssyncset.done $0x0  }
0x38: {  	p0 =	sne.s32 s19, s10;
	[sflag:s11] =	ssyncadd.s32 $0xFFFFE0C0  }
.Ltmp1:
0x39: {  	[bflag:$0x0] =	sbarrier.arrive $0xFFFF;
	(pc) =	sbr.rel @p0 .LBB2_1-.Ltmp1, $4  }
0x3a: {  	[hbm:s9], [sflag:s17] =	dma.local [spmem:s18], $0x1400  }
0x3b: {  	_ =	swait.ge [sflag:s11], $0x1400  }
0x3c: {  	[sflag:s11] =	ssyncset.done $0x0  }
0x3d: {  	[sflag:s11] =	ssyncadd.s32 $0xFFFFEC00  }
0x3e: {  	_ =	sfence.sel $0x180000  }
0x3f: {  	[bflag:$0x0] =	sbarrier.arrive $0xFFFF  }
0x40: {  	p0 =	sne.s32 s0, $0x0;
	_ =	strace $0x9000004A  }
0x41: {  	s0 =	sadd.s32 @!p0 $0x100000, s1;
	[bflag:$0x2] =	sbarrier.arrive $0xFFFF  }
0x42: {  	[sflag:s0] =	ssyncadd.tile.s32 @!p0 $0x1;
	_ =	shalt  }
.Lfunc_end2:
_tile_overlayer_lowered:
.L_overlay_start_2:
0x43: {  	(tag) =	ssettag $0x2  }
0x44: {  	s0 =	rddreg [dreg:$0x0];
	s2 =	stileid.u32  }
0x45: {  	s1 =	rddreg [dreg:$0x1];
	p0 =	sne.s32 s2, $0x0  }
0x46: {  	s3 =	rddreg [dreg:$0x2];
	[bflag:$0x3] =	sbarrier.arrive $0xFFFF;
	s2 =	simm.s32 @!p0 $0x1C02  }
0x47: {  	[timem:s3], [sflag:s2] =	dma.local @!p0 [hbm:s0], s1  }
0x48: {  	s0 =	simm.s32 @!p0 $0x2  }
0x49: {  	_ =	swait.ge @!p0 [sflag:s0], s1  }
0x4a: {  	s1 =	ssub.s32 @!p0 $0x0, s1;
	[sflag:s0] =	ssyncset.done @!p0 $0x0  }
0x4b: {  	[sflag:s0] =	ssyncadd.s32 @!p0 s1  }
0x4c: {  	[bflag:$0x3] =	sbarrier.arrive $0xFFFF  }
0x4d: {  	_ =	shalt  }

// kernel: kernel.14.cloned.1.call-start
scs
__scs_entry_jumppad:
0x0: {  	(pc) =	sbr.rel $0x88, $3  }
0x1: {  	(tag) =	ssettag $0x0;
	lr =	simm.s32 $0x1  }
0x2: {  	[smem:$0x3F97] =	sst lr;
	_ =	strace $0xD0000000  }
0x3: {  	_ = 	snop  }
0x4: {  	_ = 	snop  }
0x5: {  	_ = 	snop  }
0x6: {  	_ = 	snop  }
0x7: {  	_ = 	snop  }
__scs_overlays_trampoline_lowered:
0x8: {  	[smem:$0x3FA6] =	sst s0  }
0x9: {  	[smem:$0x3FA7] =	sst s1  }
0xa: {  	[smem:$0x3FA8] =	sst s2  }
0xb: {  	[smem:$0x3FA9] =	sst s3  }
0xc: {  	[smem:$0x3FAA] =	sst s4  }
0xd: {  	[smem:$0x3FAB] =	sst s5  }
0xe: {  	[smem:$0x3FAC] =	sst s6  }
0xf: {  	[smem:$0x3FAD] =	sst s7  }
0x10: {  	[smem:$0x3FAE] =	sst s8  }
0x11: {  	[smem:$0x3FAF] =	sst s9;
	s0 =	simm.s32 @!p0 $0x0  }
0x12: {  	s1 =	sld [smem:$0x3F95];
	s0 =	simm.s32 @p0 $0x1  }
0x13: {  	[smem:$0x3FB0] =	sst s0;
	s0 =	simm.s32 @!p1 $0x0  }
0x14: {  	s2 =	sld [smem:$0x3F94];
	s0 =	simm.s32 @p1 $0x1  }
0x15: {  	[smem:$0x3FB1] =	sst s0;
	s0 =	simm.s32 @!p2 $0x0  }
0x16: {  	s3 =	sld [smem:$0x3FDB];
	s0 =	simm.s32 @p2 $0x1  }
0x17: {  	s4 =	simm.s32 $0x1BF5;
	[smem:$0x3FB3] =	sst s0  }
0x18: {  	s0 =	sld [smem:$0x3F96];
	_ =	swait.ge [sflag:s4], $0x0  }
0x19: {  	s7 =	sld [smem:$0x3F97]  }
0x1a: {  	s8 =	sadd.s32 $0xFFFFE003, lr  }
0x1b: {  	s9 =	sadd.s32 $0xFFFFFEF7, lr;
	s5 =	simm.s32 $0xFFFFFFFF;
	p2 =	slt.u32 s8, $0xFFFFF086  }
0x1c: {  	p1 =	slt.u32 s9, $0xF7A;
	s5 =	simm.s32 @!p2 $0x0  }
0x1d: {  	s5 =	simm.s32 @p1 $0x1;
	p0 =	seq.s32 s7, s2  }
0x1e: {  	s7 =	smul.u32 @!p0 $0xF7A, s2;
	p2 =	seq.s32 @!p0 s5, $0x0  }
0x1f: {  	s9 =	smul.u32 $0xF7A, s1;
	s8 =	simm.s32 @!p0 $0x1BF5;
	p2 =	por !p2, p0  }
0x20: {  	[sflag:s8] =	ssyncset.s32 @!p0 $0xFFFFF086;
	s6 =	sadd.s32 @!p0 s3, s7;
	s7 =	simm.s32 @!p0 $0x108  }
0x21: {  	s3 =	sadd.s32 s3, s9;
	s6 =	sadd.s32 @!p0 $0x88, s6;
	s7 =	simm.s32 @p2 $0x1082  }
0x22: {  	[simem:s7], [sflag:s8] =	dma.local @!p0 [hbm:s6], $0xF7A  }
0x23: {  	s9 =	sor.u32 $0xD0000000, s2;
	s6 =	simm.s32 $0x108;
	_ =	swait.ge @!p0 [sflag:s8], $0x0  }
0x24: {  	s3 =	sadd.s32 $0x88, s3;
	s6 =	simm.s32 @!p1 $0x1082;
	[sflag:s4] =	ssyncset.s32 $0xFFFFF086  }
0x25: {  	[simem:s6], [sflag:s4] =	dma.local [hbm:s3], $0xF7A  }
0x26: {  	[smem:$0x3F97] =	sst s1;
	(tag) =	ssettag s2;
	_ =	strace s9  }
0x27: {  	s1 =	sld [smem:$0x3FA7]  }
0x28: {  	s2 =	sld [smem:$0x3FA8]  }
0x29: {  	s4 =	sld [smem:$0x3FAA]  }
0x2a: {  	p0 =	seq.s32 s5, $0x0;
	s5 =	sld [smem:$0x3FAB]  }
0x2b: {  	s6 =	sld [smem:$0x3FAC]  }
0x2c: {  	s7 =	sld [smem:$0x3FAD]  }
0x2d: {  	s3 =	simm.s32 $0x108;
	s8 =	sld [smem:$0x3FAE]  }
0x2e: {  	s3 =	simm.s32 @!p0 $0x1082;
	s9 =	sld [smem:$0x3FAF]  }
0x2f: {  	lr =	sadd.s32 s0, s3;
	s0 =	sld [smem:$0x3FA6]  }
0x30: {  	s3 =	sld [smem:$0x3FA9]  }
0x31: {  	[smem:$0x3FB2] =	sst s10  }
0x32: {  	s10 =	sld [smem:$0x3FB0];
	_ =	sdelay $0x3  }
0x33: {  	p0 =	seq.s32 s10, $0x1;
	s10 =	sld [smem:$0x3FB2];
	_ =	sdelay $0x3  }
0x34: {  	[smem:$0x3FB2] =	sst s10  }
0x35: {  	s10 =	sld [smem:$0x3FB1];
	_ =	sdelay $0x3  }
0x36: {  	p1 =	seq.s32 s10, $0x1;
	s10 =	sld [smem:$0x3FB2];
	_ =	sdelay $0x3  }
0x37: {  	[smem:$0x3FB2] =	sst s10  }
0x38: {  	s10 =	sld [smem:$0x3FB3]  }
0x39: {  	_ = 	snop;
	(pc) =	sbr.ind lr, $3  }
0x3a: {  	_ = 	snop  }
0x3b: {  	_ = 	snop  }
0x3c: {  	p2 =	seq.s32 s10, $0x1;
	s10 =	sld [smem:$0x3FB2]  }
0x3d: {  	_ =	shalt  }
0x3e: {  	_ =	shalt  }
0x3f: {  	_ =	shalt  }
0x40: {  	_ =	shalt  }
0x41: {  	_ =	shalt  }
0x42: {  	_ =	shalt  }
0x43: {  	_ =	shalt  }
0x44: {  	_ =	shalt  }
0x45: {  	_ =	shalt  }
0x46: {  	_ =	shalt  }
0x47: {  	_ =	shalt  }
0x48: {  	_ =	shalt  }
0x49: {  	_ =	shalt  }
0x4a: {  	_ =	shalt  }
0x4b: {  	_ =	shalt  }
0x4c: {  	_ =	shalt  }
0x4d: {  	_ =	shalt  }
0x4e: {  	_ =	shalt  }
0x4f: {  	_ =	shalt  }
0x50: {  	_ =	shalt  }
0x51: {  	_ =	shalt  }
0x52: {  	_ =	shalt  }
0x53: {  	_ =	shalt  }
0x54: {  	_ =	shalt  }
0x55: {  	_ =	shalt  }
0x56: {  	_ =	shalt  }
0x57: {  	_ =	shalt  }
0x58: {  	_ =	shalt  }
0x59: {  	_ =	shalt  }
0x5a: {  	_ =	shalt  }
0x5b: {  	_ =	shalt  }
0x5c: {  	_ =	shalt  }
0x5d: {  	_ =	shalt  }
0x5e: {  	_ =	shalt  }
0x5f: {  	_ =	shalt  }
0x60: {  	_ =	shalt  }
0x61: {  	_ =	shalt  }
0x62: {  	_ =	shalt  }
0x63: {  	_ =	shalt  }
0x64: {  	_ =	shalt  }
0x65: {  	_ =	shalt  }
0x66: {  	_ =	shalt  }
0x67: {  	_ =	shalt  }
0x68: {  	_ =	shalt  }
0x69: {  	_ =	shalt  }
0x6a: {  	_ =	shalt  }
0x6b: {  	_ =	shalt  }
0x6c: {  	_ =	shalt  }
0x6d: {  	_ =	shalt  }
0x6e: {  	_ =	shalt  }
0x6f: {  	_ =	shalt  }
0x70: {  	_ =	shalt  }
0x71: {  	_ =	shalt  }
0x72: {  	_ =	shalt  }
0x73: {  	_ =	shalt  }
0x74: {  	_ =	shalt  }
0x75: {  	_ =	shalt  }
0x76: {  	_ =	shalt  }
0x77: {  	_ =	shalt  }
0x78: {  	_ =	shalt  }
0x79: {  	_ =	shalt  }
0x7a: {  	_ =	shalt  }
0x7b: {  	_ =	shalt  }
0x7c: {  	_ =	shalt  }
0x7d: {  	_ =	shalt  }
0x7e: {  	_ =	shalt  }
0x7f: {  	_ =	shalt  }
0x80: {  	_ =	shalt  }
0x81: {  	_ =	shalt  }
0x82: {  	_ =	shalt  }
0x83: {  	_ =	shalt  }
0x84: {  	_ =	shalt  }
0x85: {  	_ =	shalt  }
0x86: {  	_ =	shalt  }
0x87: {  	_ =	shalt  }
.Lfunc_end0:
.L_simem_size_0:
called_computation.2_lowered:
.L_overlay_start_0:
0x88: {  	s2 =	sld [smem:$0x3FD9]  }
0x89: {  	s3 =	sld [smem:$0x3FFE];
	_ =	sdelay $0x1  }
0x8a: {  	s1 =	srdreg.scid  }
0x8b: {  	s0 =	sand.u32 $0x1, s1  }
0x8c: {  	s16 =	sshll.u32 s0, $0xA;
	s2 =	sadd.s32 s3, s2  }
0x8d: {  	s2 =	sadd.s32 s2, s16  }
0x8e: {  	[smem:$0x3FBE] =	sst s2  }
0x8f: {  	_ = 	snop  }
0x90: {  	(tm) =	ssettm $0x1  }
0x91: {  	s17 =	sld [smem:$0x3FFB];
	_ =	sdelay $0x3  }
0x92: {  	_ =	strace s17  }
0x93: {  	s2 =	sld [smem:$0x3FFC];
	_ =	sdelay $0x3  }
0x94: {  	_ =	strace s2  }
0x95: {  	s2 =	sld [smem:$0x3FFD];
	_ =	sdelay $0x3  }
0x96: {  	_ =	strace s2  }
0x97: {  	_ =	strace $0x8FFFFFFF  }
0x98: {  	s18 =	sld [smem:$0x3FDB];
	_ =	sdelay $0x1  }
0x99: {  	s19 =	simm.s32 $_scs_section_size  }
0x9a: {  	s4 =	simm.s32 $_size__tile_overlayer_lowered;
	s5 =	simm.s32 $_tile_overlayer_lowered  }
0x9b: {  	s22 =	simm.s32 $0x1BFF;
	s21 =	sshll.u32 s5, $0x1;
	s2 =	sadd.s32 s19, s18  }
0x9c: {  	s6 =	simm.s32 $0x0;
	s20 =	sshll.u32 s4, $0x1;
	s4 =	sadd.s32 s21, s2  }
0x9d: {  	[timem:s6], [sflag:s22] =	dma.local [hbm:s4], s20  }
0x9e: {  	_ =	swait.ge [sflag:s22], s20  }
0x9f: {  	s3 =	ssub.s32 $0x0, s20;
	[sflag:s22] =	ssyncset.done $0x0  }
0xa0: {  	[sflag:s22] =	ssyncadd.s32 s3;
	_ =	sdelay $0x1  }
0xa1: {  	s23 =	simm.s32 $0x1B8B  }
0xa2: {  	_ =	swait.ge [sflag:s23], $0x1  }
0xa3: {  	[sflag:s23] =	ssyncset.done $0x0  }
0xa4: {  	s25 =	simm.s32 $0x1B8E;
	s24 =	sld [smem:$0x3FFE];
	[sflag:s23] =	ssyncadd.s32 $0xFFFFFFFF  }
0xa5: {  	s26 =	simm.s32 $execute0_lowered;
	[smem:$0x3FD2] =	sst s25  }
0xa6: {  	s4 =	sshll.u32 s26, $0x1;
	_ =	strace $0x8000004C;
	[dreg:$0x1] =	wrdreg $0xFFFFFFFF  }
0xa7: {  	s28 =	simm.s32 $_size_execute0_lowered;
	s2 =	sadd.s32 s2, s4;
	[dreg:$0x0] =	wrdreg $0x0  }
0xa8: {  	s4 =	sshll.u32 s28, $0x1;
	[dreg:$0x2] =	wrdreg s2  }
0xa9: {  	[dreg:$0x3] =	wrdreg s4  }
0xaa: {  	[dreg:$0x4] =	wrdreg $0xC0  }
0xab: {  	_ =	task [dreg:s6], $0x5FFFF  }
0xac: {  	[dreg:$0x1] =	wrdreg $0xFFFFFFFF  }
0xad: {  	[dreg:$0x0] =	wrdreg $0x60  }
0xae: {  	[dreg:$0x2] =	wrdreg s24  }
0xaf: {  	[dreg:$0x3] =	wrdreg $0xAFA00  }
0xb0: {  	[dreg:$0x4] =	wrdreg $0x9  }
0xb1: {  	_ =	task.clear_ibuf [dreg:s6], $0x5FFFF;
	_ =	strace $0x9000004C  }
0xb2: {  	s29 =	simm.s32 $0x9;
	_ =	strace $0x8000004E  }
0xb3: {  	_ =	swait.ge [sflag:s29], $0x1  }
0xb4: {  	[sflag:s29] =	ssyncadd.s32 $0xFFFFFFFF  }
0xb5: {  	_ =	strace $0x9000004E  }
0xb6: {  	_ =	sfence  }
0xb7: {  	s30 =	sld [smem:$0x0];
	_ =	sdelay $0x2  }
0xb8: {  	s31 =	sshll.u32 s1, $0xD;
	s1 =	sshrl.u32 s1, $0x2  }
0xb9: {  	s3 =	sand.u32 $0x4000, s31;
	s1 =	sadd.s32 s1, s30  }
0xba: {  	s0 =	sor.u32 s3, s0;
	s1 =	sshll.u32 s1, $0x11  }
0xbb: {  	s0 =	sor.u32 s1, s0  }
0xbc: {  	s0 =	sadd.s32 $0x8F2B, s0  }
0xbd: {  	[sflag:s0] =	ssyncadd.remote.s32 $0x1  }
0xbe: {  	_ =	sfence.sel $0xFFFF  }
0xbf: {  	[dreg:$0x0] =	wrdreg $0xFFFFFFFF;
	(pc) =	sbr.abs _section_cstart, $3  }
0xc0: {  	[dreg:$0x1] =	wrdreg $0xFFFFFFFF  }
0xc1: {  	_ =	task.clear_ibuf [dreg:s6], $0x2FFFF;
	_ =	strace $0x9FFFFFFF  }
0xc2: {  	(tm) =	ssettm $0x7FFFFFFF  }
0xc3: {  	_ =	shalt  }
tec
execute0_lowered:
.L_overlay_start_1:
0x0: {  	(tag) =	ssettag $0x1  }
0x1: {  	s6 =	rddreg [dreg:$0x0]  }
0x2: {  	s0 =	srdreg.scid;
	s2 =	rddreg [dreg:$0x1]  }
0x3: {  	s1 =	rddreg [dreg:$0x2];
	s3 =	simm.s32 $0x0;
	s5 =	sand.u32 $0x1, s0  }
0x4: {  	s13 =	simm.s32 $0x5FA0;
	s0 =	stileid.u32;
	s7 =	smul.u32 $0x28000, s5  }
0x5: {  	s14 =	simm.s32 $0x7D;
	s15 =	simm.s32 $0x5000;
	s8 =	smul.u32 $0x2800, s0  }
0x6: {  	s16 =	simm.s32 $0x1;
	s19 =	simm.s32 $0x0;
	s9 =	smul.u32 $0x5000, s0  }
0x7: {  	[smem:$0x7FF] =	sst s3;
	s4 =	sadd.s32 $0x1B000, s6;
	s10 =	smul.u32 $0x50000, s5  }
0x8: {  	_ =	strace $0x8000004D;
	s31 =	ssub.s32 $0x2, s5;
	s17 =	sshll.u32 s0, $0x6  }
0x9: {  	s5 =	sadd.s32 $0xBE00, s6;
	s11 =	sshrl.u32 s31, $0x1;
	s17 =	sor.u32 $0x1C02, s17  }
0xa: {  	s7 =	sadd.s32 s8, s7;
	s30 =	sadd.s32 s9, s10;
	s10 =	ssub.s32 s31, s11  }
0xb: {  	s11 =	simm.s32 $0x2;
	s7 =	sshrl.u32 s7, $0x3;
	s8 =	sshrl.u32 s30, $0x3  }
0xc: {  	s10 =	smax.u32 s10, $0x1;
	s7 =	sadd.s32 s7, s6;
	s12 =	sadd.s32 s8, s6  }
0xd: {  	s8 =	sadd.s32 s9, s2;
	s6 =	sadd.s32 $0x11000, s7;
	s7 =	sadd.s32 $0x1E00, s7  }
0xe: {  	s9 =	sadd.s32 $0x24E00, s12;
	s12 =	simm.s32 $0x2800;
	s18 =	sshrl.u32 s8, $0x3  }
.LBB2_1:
0xf: {  	[tilespmem:s3], [sflag:$0x2] =	stream.linear.gather [hbm4b:s6+s3], $0x2800, $0x38;
	[tilespmem:$0xFFA0] =	vst v63  }
0x10: {  	_ =	swait.ge [sflag:s11], $0x2800  }
0x11: {  	[sflag:s11] =	ssyncset.done $0x0  }
0x12: {  	[sflag:s11] =	ssyncadd.s32 $0xFFFFD800  }
0x13: {  	[tilespmem:s12], [sflag:$0x2] =	stream.linear.gather [hbm4b:s7+s3], $0x2800, $0x38;
	[tilespmem:$0xFFA0] =	vst v63  }
0x14: {  	_ =	swait.ge [sflag:s11], $0x2800  }
0x15: {  	[sflag:s11] =	ssyncset.done $0x0  }
0x16: {  	[sflag:s11] =	ssyncadd.s32 $0xFFFFD800  }
0x17: {  	[tilespmem:s13], [sflag:$0x2] =	stream.linear.gather [hbm4b:s5+s3], $0x5000, $0x38;
	[tilespmem:$0xFFA0] =	vst v63  }
0x18: {  	_ =	swait.ge [sflag:s11], $0x5000  }
0x19: {  	[sflag:s11] =	ssyncset.done $0x0  }
0x1a: {  	[sflag:s11] =	ssyncadd.s32 $0xFFFFB000  }
0x1b: {  	[spmem:s8] =	stream.linear.scatter [tilespmem:s13], [sflag:$0x2], $0x5000, $0x38;
	[tilespmem:$0xFFA0] =	vst v63  }
0x1c: {  	_ =	swait.ge [sflag:s11], $0x5000  }
0x1d: {  	[sflag:s11] =	ssyncset.done $0x0  }
0x1e: {  	[sflag:s11] =	ssyncadd.s32 $0xFFFFB000  }
0x1f: {  	s20 =	simm.s32 $0x0;
	[bflag:$0x0] =	sbarrier.arrive $0xFFFF  }
0x20: {  	[tilespmem:s15], [sflag:$0x1] =	stream.indirect.gather [hbm4b:s4+s14], $0x20, s20, s14, $0xb8;
	[tilespmem:$0xFFA0] =	vst v63  }
0x21: {  	_ =	swait.ge [sflag:s16], $0xFA0  }
0x22: {  	[sflag:s16] =	ssyncset.done $0x0  }
0x23: {  	s31 =	simm.s32 $0x2800;
	[sflag:s16] =	ssyncadd.s32 $0xFFFFF060  }
0x24: {  	[spmem:s2] =	stream.indirect.scatter.add.f32 [tilespmem:s15], [sflag:$0x2], $0x20, s31, s14, $0xb8;
	[tilespmem:$0xFFA0] =	vst v63  }
0x25: {  	_ =	swait.ge [sflag:s11], $0xFA0  }
0x26: {  	s21 =	simm.s32 $0x400;
	s20 =	simm.s32 $0x200;
	[sflag:s11] =	ssyncset.done $0x0  }
.LBB2_2:
0x27: {  	s22 =	sshra.s32 s20, $0x2  }
0x28: {  	[sflag:s11] =	ssyncadd.s32 $0xFFFFF060;
	s20 =	smov.u32 s21;
	s23 =	sadd.s32 $0x200, s21  }
0x29: {  	[tilespmem:s15], [sflag:$0x1] =	stream.indirect.gather [hbm4b:s4+s14], $0x20, s22, s14, $0xb8;
	[tilespmem:$0xFFA0] =	vst v63  }
0x2a: {  	p0 =	sne.s32 s21, $0x9E00;
	_ =	swait.ge [sflag:s16], $0xFA0  }
.Ltmp0:
0x2b: {  	[sflag:s16] =	ssyncset.done $0x0;
	(pc) =	sbr.rel @p0 .LBB2_2-.Ltmp0, $4  }
0x2c: {  	s21 =	sadd.s32 $0x2800, s22;
	[sflag:s16] =	ssyncadd.s32 $0xFFFFF060  }
0x2d: {  	[spmem:s2] =	stream.indirect.scatter.add.f32 [tilespmem:s15], [sflag:$0x2], $0x20, s21, s14, $0xb8;
	[tilespmem:$0xFFA0] =	vst v63  }
0x2e: {  	_ =	swait.ge [sflag:s11], $0xFA0  }
0x2f: {  	s21 =	smov.u32 s23;
	[sflag:s11] =	ssyncset.done $0x0  }
0x30: {  	s20 =	sshra.s32 s20, $0x2;
	[sflag:s11] =	ssyncadd.s32 $0xFFFFF060  }
0x31: {  	[tilespmem:s15], [sflag:$0x1] =	stream.indirect.gather [hbm4b:s4+s14], $0x20, s20, s14, $0xb8;
	[tilespmem:$0xFFA0] =	vst v63  }
0x32: {  	_ =	swait.ge [sflag:s16], $0xFA0  }
0x33: {  	[sflag:s16] =	ssyncset.done $0x0  }
0x34: {  	s20 =	sadd.s32 $0x2800, s20;
	[sflag:s16] =	ssyncadd.s32 $0xFFFFF060  }
0x35: {  	[spmem:s2] =	stream.indirect.scatter.add.f32 [tilespmem:s15], [sflag:$0x2], $0x20, s20, s14, $0xb8;
	[tilespmem:$0xFFA0] =	vst v63  }
0x36: {  	_ =	swait.ge [sflag:s11], $0xFA0  }
0x37: {  	s19 =	sadd.s32 $0x1, s19;
	[sflag:s11] =	ssyncset.done $0x0  }
0x38: {  	p0 =	sne.s32 s19, s10;
	[sflag:s11] =	ssyncadd.s32 $0xFFFFF060  }
.Ltmp1:
0x39: {  	[bflag:$0x0] =	sbarrier.arrive $0xFFFF;
	(pc) =	sbr.rel @p0 .LBB2_1-.Ltmp1, $4  }
0x3a: {  	[hbm:s9], [sflag:s17] =	dma.local [spmem:s18], $0xA00  }
0x3b: {  	_ =	swait.ge [sflag:s11], $0xA00  }
0x3c: {  	[sflag:s11] =	ssyncset.done $0x0  }
0x3d: {  	[sflag:s11] =	ssyncadd.s32 $0xFFFFF600  }
0x3e: {  	_ =	sfence.sel $0x180000  }
0x3f: {  	[bflag:$0x0] =	sbarrier.arrive $0xFFFF  }
0x40: {  	p0 =	sne.s32 s0, $0x0;
	_ =	strace $0x9000004D  }
0x41: {  	s0 =	sadd.s32 @!p0 $0x100000, s1;
	[bflag:$0x2] =	sbarrier.arrive $0xFFFF  }
0x42: {  	[sflag:s0] =	ssyncadd.tile.s32 @!p0 $0x1;
	_ =	shalt  }
.Lfunc_end2:
_tile_overlayer_lowered:
.L_overlay_start_2:
0x43: {  	(tag) =	ssettag $0x2  }
0x44: {  	s0 =	rddreg [dreg:$0x0];
	s2 =	stileid.u32  }
0x45: {  	s1 =	rddreg [dreg:$0x1];
	p0 =	sne.s32 s2, $0x0  }
0x46: {  	s3 =	rddreg [dreg:$0x2];
	[bflag:$0x3] =	sbarrier.arrive $0xFFFF;
	s2 =	simm.s32 @!p0 $0x1C02  }
0x47: {  	[timem:s3], [sflag:s2] =	dma.local @!p0 [hbm:s0], s1  }
0x48: {  	s0 =	simm.s32 @!p0 $0x2  }
0x49: {  	_ =	swait.ge @!p0 [sflag:s0], s1  }
0x4a: {  	s1 =	ssub.s32 @!p0 $0x0, s1;
	[sflag:s0] =	ssyncset.done @!p0 $0x0  }
0x4b: {  	[sflag:s0] =	ssyncadd.s32 @!p0 s1  }
0x4c: {  	[bflag:$0x3] =	sbarrier.arrive $0xFFFF  }
0x4d: {  	_ =	shalt  }

// kernel: kernel.8.cloned.1.call-start
scs
__scs_entry_jumppad:
0x0: {  	(pc) =	sbr.rel $0x88, $3  }
0x1: {  	(tag) =	ssettag $0x0;
	lr =	simm.s32 $0x1  }
0x2: {  	[smem:$0x3F97] =	sst lr;
	_ =	strace $0xD0000000  }
0x3: {  	_ = 	snop  }
0x4: {  	_ = 	snop  }
0x5: {  	_ = 	snop  }
0x6: {  	_ = 	snop  }
0x7: {  	_ = 	snop  }
__scs_overlays_trampoline_lowered:
0x8: {  	[smem:$0x3FA6] =	sst s0  }
0x9: {  	[smem:$0x3FA7] =	sst s1  }
0xa: {  	[smem:$0x3FA8] =	sst s2  }
0xb: {  	[smem:$0x3FA9] =	sst s3  }
0xc: {  	[smem:$0x3FAA] =	sst s4  }
0xd: {  	[smem:$0x3FAB] =	sst s5  }
0xe: {  	[smem:$0x3FAC] =	sst s6  }
0xf: {  	[smem:$0x3FAD] =	sst s7  }
0x10: {  	[smem:$0x3FAE] =	sst s8  }
0x11: {  	[smem:$0x3FAF] =	sst s9;
	s0 =	simm.s32 @!p0 $0x0  }
0x12: {  	s1 =	sld [smem:$0x3F95];
	s0 =	simm.s32 @p0 $0x1  }
0x13: {  	[smem:$0x3FB0] =	sst s0;
	s0 =	simm.s32 @!p1 $0x0  }
0x14: {  	s2 =	sld [smem:$0x3F94];
	s0 =	simm.s32 @p1 $0x1  }
0x15: {  	[smem:$0x3FB1] =	sst s0;
	s0 =	simm.s32 @!p2 $0x0  }
0x16: {  	s3 =	sld [smem:$0x3FDB];
	s0 =	simm.s32 @p2 $0x1  }
0x17: {  	s4 =	simm.s32 $0x1BF5;
	[smem:$0x3FB3] =	sst s0  }
0x18: {  	s0 =	sld [smem:$0x3F96];
	_ =	swait.ge [sflag:s4], $0x0  }
0x19: {  	s7 =	sld [smem:$0x3F97]  }
0x1a: {  	s8 =	sadd.s32 $0xFFFFE003, lr  }
0x1b: {  	s9 =	sadd.s32 $0xFFFFFEF7, lr;
	s5 =	simm.s32 $0xFFFFFFFF;
	p2 =	slt.u32 s8, $0xFFFFF086  }
0x1c: {  	p1 =	slt.u32 s9, $0xF7A;
	s5 =	simm.s32 @!p2 $0x0  }
0x1d: {  	s5 =	simm.s32 @p1 $0x1;
	p0 =	seq.s32 s7, s2  }
0x1e: {  	s7 =	smul.u32 @!p0 $0xF7A, s2;
	p2 =	seq.s32 @!p0 s5, $0x0  }
0x1f: {  	s9 =	smul.u32 $0xF7A, s1;
	s8 =	simm.s32 @!p0 $0x1BF5;
	p2 =	por !p2, p0  }
0x20: {  	[sflag:s8] =	ssyncset.s32 @!p0 $0xFFFFF086;
	s6 =	sadd.s32 @!p0 s3, s7;
	s7 =	simm.s32 @!p0 $0x108  }
0x21: {  	s3 =	sadd.s32 s3, s9;
	s6 =	sadd.s32 @!p0 $0x88, s6;
	s7 =	simm.s32 @p2 $0x1082  }
0x22: {  	[simem:s7], [sflag:s8] =	dma.local @!p0 [hbm:s6], $0xF7A  }
0x23: {  	s9 =	sor.u32 $0xD0000000, s2;
	s6 =	simm.s32 $0x108;
	_ =	swait.ge @!p0 [sflag:s8], $0x0  }
0x24: {  	s3 =	sadd.s32 $0x88, s3;
	s6 =	simm.s32 @!p1 $0x1082;
	[sflag:s4] =	ssyncset.s32 $0xFFFFF086  }
0x25: {  	[simem:s6], [sflag:s4] =	dma.local [hbm:s3], $0xF7A  }
0x26: {  	[smem:$0x3F97] =	sst s1;
	(tag) =	ssettag s2;
	_ =	strace s9  }
0x27: {  	s1 =	sld [smem:$0x3FA7]  }
0x28: {  	s2 =	sld [smem:$0x3FA8]  }
0x29: {  	s4 =	sld [smem:$0x3FAA]  }
0x2a: {  	p0 =	seq.s32 s5, $0x0;
	s5 =	sld [smem:$0x3FAB]  }
0x2b: {  	s6 =	sld [smem:$0x3FAC]  }
0x2c: {  	s7 =	sld [smem:$0x3FAD]  }
0x2d: {  	s3 =	simm.s32 $0x108;
	s8 =	sld [smem:$0x3FAE]  }
0x2e: {  	s3 =	simm.s32 @!p0 $0x1082;
	s9 =	sld [smem:$0x3FAF]  }
0x2f: {  	lr =	sadd.s32 s0, s3;
	s0 =	sld [smem:$0x3FA6]  }
0x30: {  	s3 =	sld [smem:$0x3FA9]  }
0x31: {  	[smem:$0x3FB2] =	sst s10  }
0x32: {  	s10 =	sld [smem:$0x3FB0];
	_ =	sdelay $0x3  }
0x33: {  	p0 =	seq.s32 s10, $0x1;
	s10 =	sld [smem:$0x3FB2];
	_ =	sdelay $0x3  }
0x34: {  	[smem:$0x3FB2] =	sst s10  }
0x35: {  	s10 =	sld [smem:$0x3FB1];
	_ =	sdelay $0x3  }
0x36: {  	p1 =	seq.s32 s10, $0x1;
	s10 =	sld [smem:$0x3FB2];
	_ =	sdelay $0x3  }
0x37: {  	[smem:$0x3FB2] =	sst s10  }
0x38: {  	s10 =	sld [smem:$0x3FB3]  }
0x39: {  	_ = 	snop;
	(pc) =	sbr.ind lr, $3  }
0x3a: {  	_ = 	snop  }
0x3b: {  	_ = 	snop  }
0x3c: {  	p2 =	seq.s32 s10, $0x1;
	s10 =	sld [smem:$0x3FB2]  }
0x3d: {  	_ =	shalt  }
0x3e: {  	_ =	shalt  }
0x3f: {  	_ =	shalt  }
0x40: {  	_ =	shalt  }
0x41: {  	_ =	shalt  }
0x42: {  	_ =	shalt  }
0x43: {  	_ =	shalt  }
0x44: {  	_ =	shalt  }
0x45: {  	_ =	shalt  }
0x46: {  	_ =	shalt  }
0x47: {  	_ =	shalt  }
0x48: {  	_ =	shalt  }
0x49: {  	_ =	shalt  }
0x4a: {  	_ =	shalt  }
0x4b: {  	_ =	shalt  }
0x4c: {  	_ =	shalt  }
0x4d: {  	_ =	shalt  }
0x4e: {  	_ =	shalt  }
0x4f: {  	_ =	shalt  }
0x50: {  	_ =	shalt  }
0x51: {  	_ =	shalt  }
0x52: {  	_ =	shalt  }
0x53: {  	_ =	shalt  }
0x54: {  	_ =	shalt  }
0x55: {  	_ =	shalt  }
0x56: {  	_ =	shalt  }
0x57: {  	_ =	shalt  }
0x58: {  	_ =	shalt  }
0x59: {  	_ =	shalt  }
0x5a: {  	_ =	shalt  }
0x5b: {  	_ =	shalt  }
0x5c: {  	_ =	shalt  }
0x5d: {  	_ =	shalt  }
0x5e: {  	_ =	shalt  }
0x5f: {  	_ =	shalt  }
0x60: {  	_ =	shalt  }
0x61: {  	_ =	shalt  }
0x62: {  	_ =	shalt  }
0x63: {  	_ =	shalt  }
0x64: {  	_ =	shalt  }
0x65: {  	_ =	shalt  }
0x66: {  	_ =	shalt  }
0x67: {  	_ =	shalt  }
0x68: {  	_ =	shalt  }
0x69: {  	_ =	shalt  }
0x6a: {  	_ =	shalt  }
0x6b: {  	_ =	shalt  }
0x6c: {  	_ =	shalt  }
0x6d: {  	_ =	shalt  }
0x6e: {  	_ =	shalt  }
0x6f: {  	_ =	shalt  }
0x70: {  	_ =	shalt  }
0x71: {  	_ =	shalt  }
0x72: {  	_ =	shalt  }
0x73: {  	_ =	shalt  }
0x74: {  	_ =	shalt  }
0x75: {  	_ =	shalt  }
0x76: {  	_ =	shalt  }
0x77: {  	_ =	shalt  }
0x78: {  	_ =	shalt  }
0x79: {  	_ =	shalt  }
0x7a: {  	_ =	shalt  }
0x7b: {  	_ =	shalt  }
0x7c: {  	_ =	shalt  }
0x7d: {  	_ =	shalt  }
0x7e: {  	_ =	shalt  }
0x7f: {  	_ =	shalt  }
0x80: {  	_ =	shalt  }
0x81: {  	_ =	shalt  }
0x82: {  	_ =	shalt  }
0x83: {  	_ =	shalt  }
0x84: {  	_ =	shalt  }
0x85: {  	_ =	shalt  }
0x86: {  	_ =	shalt  }
0x87: {  	_ =	shalt  }
.Lfunc_end0:
.L_simem_size_0:
called_computation_lowered:
.L_overlay_start_0:
0x88: {  	s2 =	sld [smem:$0x3FD9]  }
0x89: {  	s3 =	sld [smem:$0x3FFE];
	_ =	sdelay $0x1  }
0x8a: {  	s1 =	srdreg.scid  }
0x8b: {  	s0 =	sand.u32 $0x1, s1  }
0x8c: {  	s17 =	sshll.u32 s0, $0xA;
	s2 =	sadd.s32 s3, s2  }
0x8d: {  	s2 =	sadd.s32 s2, s17  }
0x8e: {  	[smem:$0x3FBE] =	sst s2  }
0x8f: {  	_ = 	snop  }
0x90: {  	s2 =	sld [smem:$0x3FD0];
	(tm) =	ssettm $0x1  }
0x91: {  	s18 =	sld [smem:$0x3FFB];
	_ =	sdelay $0x3  }
0x92: {  	_ =	strace s18  }
0x93: {  	s3 =	sld [smem:$0x3FFC];
	_ =	sdelay $0x3  }
0x94: {  	_ =	strace s3  }
0x95: {  	s3 =	sld [smem:$0x3FFD];
	_ =	sdelay $0x3  }
0x96: {  	_ =	strace s3  }
0x97: {  	_ =	strace $0x8FFFFFFF  }
0x98: {  	s19 =	sld [smem:$0x3FDB];
	_ =	sdelay $0x1  }
0x99: {  	s4 =	simm.s32 $_scs_section_size  }
0x9a: {  	s5 =	simm.s32 $_size__tile_overlayer_lowered;
	s6 =	simm.s32 $_tile_overlayer_lowered  }
0x9b: {  	s22 =	simm.s32 $0x1BFF;
	s21 =	sshll.u32 s6, $0x1;
	s3 =	sadd.s32 s4, s19  }
0x9c: {  	s7 =	simm.s32 $0x0;
	s20 =	sshll.u32 s5, $0x1;
	s5 =	sadd.s32 s21, s3  }
0x9d: {  	[timem:s7], [sflag:s22] =	dma.local [hbm:s5], s20  }
0x9e: {  	_ =	swait.ge [sflag:s22], s20  }
0x9f: {  	s4 =	ssub.s32 $0x0, s20;
	[sflag:s22] =	ssyncset.done $0x0  }
0xa0: {  	[sflag:s22] =	ssyncadd.s32 s4;
	_ =	sdelay $0x1  }
0xa1: {  	s23 =	simm.s32 $0x1B8B  }
0xa2: {  	_ =	swait.ge [sflag:s23], $0x1  }
0xa3: {  	[sflag:s23] =	ssyncset.done $0x0  }
0xa4: {  	s25 =	simm.s32 $0x1B8E;
	s24 =	sld [smem:$0x3FFE];
	[sflag:s23] =	ssyncadd.s32 $0xFFFFFFFF  }
0xa5: {  	s26 =	simm.s32 $execute0_lowered;
	[smem:$0x3FD2] =	sst s25  }
0xa6: {  	s5 =	sshll.u32 s26, $0x1;
	_ =	strace $0x80000046;
	[dreg:$0x1] =	wrdreg $0xFFFFFFFF  }
0xa7: {  	s28 =	simm.s32 $_size_execute0_lowered;
	s3 =	sadd.s32 s3, s5;
	[dreg:$0x0] =	wrdreg $0x0  }
0xa8: {  	s5 =	sshll.u32 s28, $0x1;
	[dreg:$0x2] =	wrdreg s3  }
0xa9: {  	[dreg:$0x3] =	wrdreg s5  }
0xaa: {  	[dreg:$0x4] =	wrdreg $0xC0  }
0xab: {  	_ =	task [dreg:s7], $0x5FFFF  }
0xac: {  	[dreg:$0x1] =	wrdreg $0xFFFFFFFF  }
0xad: {  	[dreg:$0x0] =	wrdreg $0x60  }
0xae: {  	[dreg:$0x2] =	wrdreg s24  }
0xaf: {  	[dreg:$0x3] =	wrdreg s2  }
0xb0: {  	[dreg:$0x4] =	wrdreg $0x3FE80  }
0xb1: {  	[dreg:$0x5] =	wrdreg $0x9  }
0xb2: {  	_ =	task.clear_ibuf [dreg:s7], $0x6FFFF;
	_ =	strace $0x90000046  }
0xb3: {  	s29 =	simm.s32 $0x9;
	_ =	strace $0x80000048  }
0xb4: {  	_ =	swait.ge [sflag:s29], $0x1  }
0xb5: {  	[sflag:s29] =	ssyncadd.s32 $0xFFFFFFFF  }
0xb6: {  	_ =	strace $0x90000048  }
0xb7: {  	_ =	sfence  }
0xb8: {  	s30 =	sld [smem:$0x0];
	_ =	sdelay $0x2  }
0xb9: {  	s31 =	sshll.u32 s1, $0xD;
	s1 =	sshrl.u32 s1, $0x2  }
0xba: {  	s3 =	sand.u32 $0x4000, s31;
	s1 =	sadd.s32 s1, s30  }
0xbb: {  	s0 =	sor.u32 s3, s0;
	s1 =	sshll.u32 s1, $0x11  }
0xbc: {  	s0 =	sor.u32 s1, s0  }
0xbd: {  	s0 =	sadd.s32 $0x8F2B, s0  }
0xbe: {  	[sflag:s0] =	ssyncadd.remote.s32 $0x1  }
0xbf: {  	_ =	sfence.sel $0xFFFF  }
0xc0: {  	[dreg:$0x0] =	wrdreg $0xFFFFFFFF;
	(pc) =	sbr.abs _section_cstart, $3  }
0xc1: {  	[dreg:$0x1] =	wrdreg $0xFFFFFFFF  }
0xc2: {  	_ =	task.clear_ibuf [dreg:s7], $0x2FFFF;
	_ =	strace $0x9FFFFFFF  }
0xc3: {  	(tm) =	ssettm $0x7FFFFFFF  }
tec
execute0_lowered:
.L_overlay_start_1:
0x0: {  	(tag) =	ssettag $0x1  }
0x1: {  	s6 =	rddreg [dreg:$0x0]  }
0x2: {  	s2 =	rddreg [dreg:$0x1]  }
0x3: {  	s0 =	srdreg.scid;
	s3 =	rddreg [dreg:$0x2]  }
0x4: {  	s1 =	rddreg [dreg:$0x3];
	s5 =	sand.u32 $0x1, s0  }
0x5: {  	s4 =	simm.s32 $0x0;
	s0 =	stileid.u32;
	s7 =	smul.u32 $0x28000, s5  }
0x6: {  	s12 =	simm.s32 $0x2BE8;
	s13 =	simm.s32 $0x7D;
	s8 =	smul.u32 $0x2800, s0  }
0x7: {  	s16 =	simm.s32 $0x0;
	[smem:$0x7FF] =	sst s4;
	s9 =	smul.u32 $0x1400, s0  }
0x8: {  	s10 =	smul.u32 $0x14000, s5;
	_ =	strace $0x80000047;
	s31 =	ssub.s32 $0x2, s5  }
0x9: {  	s5 =	sadd.s32 $0xBE00, s6;
	s14 =	sshll.u32 s0, $0x6;
	s11 =	sshrl.u32 s31, $0x1  }
0xa: {  	s14 =	sor.u32 $0x1C01, s14;
	s7 =	sadd.s32 s8, s7;
	s30 =	sadd.s32 s9, s10  }
0xb: {  	s10 =	ssub.s32 s31, s11;
	s7 =	sshrl.u32 s7, $0x3;
	s8 =	sshrl.u32 s30, $0x3  }
0xc: {  	s11 =	simm.s32 $0x2800;
	s7 =	sadd.s32 s7, s6;
	s8 =	sadd.s32 s8, s6  }
0xd: {  	s6 =	sadd.s32 $0x1E00, s7;
	s7 =	sadd.s32 s9, s3;
	s8 =	sadd.s32 $0xC000, s8  }
0xe: {  	s9 =	smax.u32 s10, $0x1;
	s10 =	simm.s32 $0x1;
	s15 =	sshrl.u32 s7, $0x3  }
.LBB2_1:
0xf: {  	[tilespmem:s4], [sflag:$0x1] =	stream.linear.gather [hbm4b:s6+s4], $0x2800, $0x38;
	[tilespmem:$0x53E8] =	vst v63  }
0x10: {  	_ =	swait.ge [sflag:s10], $0x2800  }
0x11: {  	[sflag:s10] =	ssyncset.done $0x0  }
0x12: {  	[sflag:s10] =	ssyncadd.s32 $0xFFFFD800  }
0x13: {  	[tilespmem:s11], [sflag:$0x1] =	stream.linear.gather [hbm4b:s5+s4], $0x3E8, $0x38;
	[tilespmem:$0x53E8] =	vst v63  }
0x14: {  	_ =	swait.ge [sflag:s10], $0x3E8  }
0x15: {  	[sflag:s10] =	ssyncset.done $0x0  }
0x16: {  	[sflag:s10] =	ssyncadd.s32 $0xFFFFFC18  }
0x17: {  	[tilespmem:s12], [sflag:$0x1] =	stream.linear.gather [hbm4b:s2+s4], $0x1400, $0x38;
	[tilespmem:$0x53E8] =	vst v63  }
0x18: {  	_ =	swait.ge [sflag:s10], $0x1400  }
0x19: {  	[sflag:s10] =	ssyncset.done $0x0  }
0x1a: {  	[sflag:s10] =	ssyncadd.s32 $0xFFFFEC00  }
0x1b: {  	[spmem:s7] =	stream.linear.scatter [tilespmem:s12], [sflag:$0x1], $0x1400, $0x38;
	[tilespmem:$0x53E8] =	vst v63  }
0x1c: {  	_ =	swait.ge [sflag:s10], $0x1400  }
0x1d: {  	[sflag:s10] =	ssyncset.done $0x0  }
0x1e: {  	[sflag:s10] =	ssyncadd.s32 $0xFFFFEC00  }
0x1f: {  	s17 =	simm.s32 $0x0;
	[bflag:$0x0] =	sbarrier.arrive $0xFFFF  }
0x20: {  	[spmem:s3] =	stream.indirect.scatter.add.f32 [tilespmem:s11], [sflag:$0x1], $0x8, s17, s13, $0xb8;
	[tilespmem:$0x53E8] =	vst v63  }
0x21: {  	_ =	swait.ge [sflag:s10], $0x3E8  }
0x22: {  	s17 =	simm.s32 $0x200;
	[sflag:s10] =	ssyncset.done $0x0  }
.LBB2_2:
0x23: {  	s18 =	sshra.s32 s17, $0x2;
	[sflag:s10] =	ssyncadd.s32 $0xFFFFFC18;
	p0 =	sne.s32 s17, $0x9E00  }
0x24: {  	[spmem:s3] =	stream.indirect.scatter.add.f32 [tilespmem:s11], [sflag:$0x1], $0x8, s18, s13, $0xb8;
	[tilespmem:$0x53E8] =	vst v63  }
.Ltmp0:
0x25: {  	_ = 	snop;
	(pc) =	sbr.rel @p0 .LBB2_2-.Ltmp0, $4  }
0x26: {  	_ = 	snop  }
0x27: {  	s17 =	sadd.s32 $0x200, s17  }
0x28: {  	_ =	swait.ge [sflag:s10], $0x3E8  }
0x29: {  	[sflag:s10] =	ssyncset.done $0x0  }
0x2a: {  	s16 =	sadd.s32 $0x1, s16  }
0x2b: {  	[sflag:s10] =	ssyncadd.s32 $0xFFFFFC18;
	p0 =	sne.s32 s16, s9  }
.Ltmp1:
0x2c: {  	[bflag:$0x0] =	sbarrier.arrive $0xFFFF;
	(pc) =	sbr.rel @p0 .LBB2_1-.Ltmp1, $4  }
0x2d: {  	[hbm:s8], [sflag:s14] =	dma.local [spmem:s15], $0x280  }
0x2e: {  	_ =	swait.ge [sflag:s10], $0x280  }
0x2f: {  	[sflag:s10] =	ssyncset.done $0x0  }
0x30: {  	[sflag:s10] =	ssyncadd.s32 $0xFFFFFD80  }
0x31: {  	_ =	sfence.sel $0x180000  }
0x32: {  	[bflag:$0x0] =	sbarrier.arrive $0xFFFF  }
0x33: {  	p0 =	sne.s32 s0, $0x0;
	_ =	strace $0x90000047  }
0x34: {  	s0 =	sadd.s32 @!p0 $0x100000, s1;
	[bflag:$0x2] =	sbarrier.arrive $0xFFFF  }
0x35: {  	[sflag:s0] =	ssyncadd.tile.s32 @!p0 $0x1;
	_ =	shalt  }
.Lfunc_end2:
_tile_overlayer_lowered:
.L_overlay_start_2:
0x36: {  	(tag) =	ssettag $0x2  }
0x37: {  	s0 =	rddreg [dreg:$0x0];
	s2 =	stileid.u32  }
0x38: {  	s1 =	rddreg [dreg:$0x1];
	p0 =	sne.s32 s2, $0x0  }
0x39: {  	s3 =	rddreg [dreg:$0x2];
	[bflag:$0x3] =	sbarrier.arrive $0xFFFF;
	s2 =	simm.s32 @!p0 $0x1C01  }
0x3a: {  	[timem:s3], [sflag:s2] =	dma.local @!p0 [hbm:s0], s1  }
0x3b: {  	s0 =	simm.s32 @!p0 $0x1  }
0x3c: {  	_ =	swait.ge @!p0 [sflag:s0], s1  }
0x3d: {  	s1 =	ssub.s32 @!p0 $0x0, s1;
	[sflag:s0] =	ssyncset.done @!p0 $0x0  }
0x3e: {  	[sflag:s0] =	ssyncadd.s32 @!p0 s1  }
0x3f: {  	[bflag:$0x3] =	sbarrier.arrive $0xFFFF  }
0x40: {  	_ =	shalt  }

</sc_bundles>
